<compile_context>
chip_gen: v7x
topology: tpu7x:2x2x1
jax: 0.10.2.dev20260603
libtpu: 0.0.44.dev20260713+nightly
codegen_flags: <defaults>
</compile_context>

<pallas_src>
import functools

import jax
import jax.numpy as jnp
from jax import lax
from jax.experimental import pallas as pl
from jax.experimental.pallas import tpu as pltpu
from jax.experimental.pallas import tpu_sc as plsc

C = 64
L = 100000
X_H = 512
X_W = 512
IMG_H = 128
IMG_W = 2048

N_TILES = 16
P = 6272
LP = N_TILES * P
ROWS = P // 16
PLANE = X_H * X_W
R_PER_TILE = X_H // N_TILES
CH_PER_CORE = C // 2


def _sc_kernel(x_hbm, img_hbm, px_hbm, py_hbm, ix_hbm, iy_hbm, out_hbm,
               ta, tb, pidx_v, didx_v, vals0, vals1, plane0, plane1,
               gsem0, gsem1, ssem, psem, osem):
    cid = lax.axis_index("c")
    sid = lax.axis_index("s")

    pltpu.sync_copy(px_hbm.at[sid], ta)
    pltpu.sync_copy(py_hbm.at[sid], tb)

    def body_p(j, carry):
        s = pl.ds(j * 16, 16)
        pidx_v[s] = tb[s] * IMG_W + ta[s]
        return carry

    lax.fori_loop(0, ROWS, body_p, 0)

    pltpu.sync_copy(ix_hbm.at[sid], ta)
    pltpu.sync_copy(iy_hbm.at[sid], tb)

    def body_d(j, carry):
        s = pl.ds(j * 16, 16)
        didx_v[s] = ta[s] * X_W + tb[s]
        return carry

    lax.fori_loop(0, ROWS, body_d, 0)

    row0 = sid * R_PER_TILE

    def chan(k):
        return cid * CH_PER_CORE + k

    def gather_src(k):
        return img_hbm.at[pl.ds(chan(k) * PLANE, PLANE)].at[pidx_v]

    def rows_in(k, plane, sem):
        def body(r, carry):
            pltpu.async_copy(x_hbm.at[chan(k), row0 + r, :],
                             plane.at[pl.ds((row0 + r) * X_W, X_W)], sem)
            return carry
        lax.fori_loop(0, R_PER_TILE, body, 0)

    def rows_in_wait(k, plane, sem):
        def body(r, carry):
            pltpu.make_async_copy(x_hbm.at[chan(k), row0 + r, :],
                                  plane.at[pl.ds((row0 + r) * X_W, X_W)],
                                  sem).wait()
            return carry
        lax.fori_loop(0, R_PER_TILE, body, 0)

    def rows_out(k, plane):
        def body(r, carry):
            pltpu.async_copy(plane.at[pl.ds((row0 + r) * X_W, X_W)],
                             out_hbm.at[chan(k), row0 + r, :], osem)
            return carry
        lax.fori_loop(0, R_PER_TILE, body, 0)

    def rows_out_wait(k, plane):
        def body(r, carry):
            pltpu.make_async_copy(plane.at[pl.ds((row0 + r) * X_W, X_W)],
                                  out_hbm.at[chan(k), row0 + r, :],
                                  osem).wait()
            return carry
        lax.fori_loop(0, R_PER_TILE, body, 0)

    pltpu.async_copy(gather_src(0), vals0, gsem0)
    pltpu.async_copy(gather_src(1), vals1, gsem1)
    rows_in(0, plane0, psem)
    rows_in_wait(0, plane0, psem)
    plsc.subcore_barrier()

    def chan_body(k, carry):
        def run(b_static):
            vals = vals0 if b_static == 0 else vals1
            gsem = gsem0 if b_static == 0 else gsem1
            plane = plane0 if b_static == 0 else plane1
            planen = plane1 if b_static == 0 else plane0

            pltpu.make_async_copy(gather_src(k), vals, gsem).wait()
            pltpu.async_copy(vals, plane.at[didx_v], ssem, add=True)

            @pl.when(k >= 1)
            def _writeback_prev():
                rows_out(k - 1, planen)
                rows_out_wait(k - 1, planen)

            @pl.when(k < CH_PER_CORE - 1)
            def _stage_next():
                rows_in(k + 1, planen, psem)
                rows_in_wait(k + 1, planen, psem)

            pltpu.make_async_copy(vals, plane.at[didx_v], ssem).wait()

            @pl.when(k < CH_PER_CORE - 2)
            def _prefetch_gather():
                pltpu.async_copy(gather_src(k + 2), vals, gsem)

            plsc.subcore_barrier()

        @pl.when(k % 2 == 0)
        def _():
            run(0)

        @pl.when(k % 2 == 1)
        def _():
            run(1)

        return carry

    lax.fori_loop(0, CH_PER_CORE, chan_body, 0)

    b_last = (CH_PER_CORE - 1) % 2
    last_plane = plane1 if b_last else plane0
    rows_out(CH_PER_CORE - 1, last_plane)
    rows_out_wait(CH_PER_CORE - 1, last_plane)


def kernel(x, img, index_x, index_y, proj_x, proj_y):
    pad = LP - L
    px = jnp.concatenate([proj_x, jnp.zeros((pad,), jnp.int32)])
    py = jnp.concatenate([proj_y, jnp.zeros((pad,), jnp.int32)])
    ix = jnp.concatenate([index_x.reshape(-1), jnp.full((pad,), X_H, jnp.int32)])
    iy = jnp.concatenate([index_y.reshape(-1), jnp.zeros((pad,), jnp.int32)])
    px = px.reshape(N_TILES, P)
    py = py.reshape(N_TILES, P)
    ix = ix.reshape(N_TILES, P)
    iy = iy.reshape(N_TILES, P)

    x3 = x.reshape(C, X_H, X_W)
    img_flat = img.reshape(-1)

    mesh = plsc.VectorSubcoreMesh(core_axis_name="c", subcore_axis_name="s")
    kern = functools.partial(
        pl.kernel,
        out_type=jax.ShapeDtypeStruct((C, X_H, X_W), jnp.float32),
        mesh=mesh,
        scratch_types=[
            pltpu.VMEM((P,), jnp.int32),
            pltpu.VMEM((P,), jnp.int32),
            pltpu.VMEM((P,), jnp.int32),
            pltpu.VMEM((P,), jnp.int32),
            pltpu.VMEM((P,), jnp.float32),
            pltpu.VMEM((P,), jnp.float32),
            pltpu.VMEM_SHARED((PLANE + 16,), jnp.float32),
            pltpu.VMEM_SHARED((PLANE + 16,), jnp.float32),
            pltpu.SemaphoreType.DMA,
            pltpu.SemaphoreType.DMA,
            pltpu.SemaphoreType.DMA,
            pltpu.SemaphoreType.DMA,
            pltpu.SemaphoreType.DMA,
        ],
    )(_sc_kernel)

    return kern(x3, img_flat, px, py, ix, iy)

# --- scband reference (transcript-rebuilt; emitter-appended) ---
"""Pipeline reference for scband-model-11879879542629 (READ-ONLY COPY).

The authoritative reference and input builder live on the scoring server;
editing this copy changes nothing except your own understanding.
"""

import jax, jax.numpy as jnp
import numpy as np

C = 64
L = 100000
X_H = 512
X_W = 512
IMG_H = 128
IMG_W = 2048


def setup_inputs(seed: int = 0) -> dict:
    key = jax.random.key(seed)
    k1, k2, k3, k4, k5, k6 = jax.random.split(key, 6)
    x = jax.random.normal(k1, (1, C, X_H, X_W), dtype=jnp.float32)
    img = jax.random.normal(k2, (C, IMG_H, IMG_W), dtype=jnp.float32)
    index_x = jax.random.randint(k3, (L, 1), 0, X_H, dtype=jnp.int32)
    index_y = jax.random.randint(k4, (L, 1), 0, X_W, dtype=jnp.int32)
    proj_x = jax.random.randint(k5, (L,), 0, IMG_W, dtype=jnp.int32)
    proj_y = jax.random.randint(k6, (L,), 0, IMG_H, dtype=jnp.int32)
    return {"x": x, "img": img, "index_x": index_x, "index_y": index_y, "proj_x": proj_x, "proj_y": proj_y}


def reference(x, img, index_x, index_y, proj_x, proj_y):
    desired_channel = img.shape[0]
    len_indices = index_x.shape[0]
    xs = jnp.squeeze(x, axis=0)
    # fast_idx: arange(C) unsqueeze(1).expand(C,L).transpose(1,0).flatten() -> [0..C-1] tiled L times
    fast_idx = jnp.tile(jnp.arange(desired_channel, dtype=jnp.int32), len_indices)
    y_max = img.shape[1]
    x_max = img.shape[2]
    img_flat = img.reshape(-1)
    # proj_x.unsqueeze(1).expand(L,C).flatten() -> each element repeated C times
    proj_x_ex = jnp.repeat(proj_x, desired_channel)
    proj_y_ex = jnp.repeat(proj_y, desired_channel)
    new_indices = fast_idx * x_max * y_max + proj_y_ex * x_max + proj_x_ex
    data = jnp.take(img_flat, new_indices, axis=0)
    # index_x [L,1].expand(L,C).flatten() -> each element repeated C times
    ix = jnp.repeat(index_x.reshape(-1), desired_channel)
    iy = jnp.repeat(index_y.reshape(-1), desired_channel)
    y = xs.at[fast_idx, ix, iy].add(data)
    return y

if __name__ == "__main__":
    import jax
    _d = setup_inputs()
    print(jax.jit(kernel)(*tuple(_d.values())))

</pallas_src>

<mosaic_0001>
#map = affine_map<(d0, d1) -> (0, 0, 0)>
#map1 = affine_map<(d0, d1) -> (0)>
#map2 = affine_map<(d0, d1) -> (0, 0)>
module attributes {stable_mosaic.version = 14 : i64} {
  func.func @_sc_kernel(%arg0: i32, %arg1: i32, %arg2: memref<64x512x512xf32, #tpu.memory_space<hbm>>, %arg3: memref<16777216xf32, #tpu.memory_space<hbm>>, %arg4: memref<16x6272xi32, #tpu.memory_space<hbm>>, %arg5: memref<16x6272xi32, #tpu.memory_space<hbm>>, %arg6: memref<16x6272xi32, #tpu.memory_space<hbm>>, %arg7: memref<16x6272xi32, #tpu.memory_space<hbm>>, %arg8: memref<64x512x512xf32, #tpu.memory_space<hbm>>, %arg9: memref<6272xi32, #tpu.memory_space<vmem>>, %arg10: memref<6272xi32, #tpu.memory_space<vmem>>, %arg11: memref<6272xi32, #tpu.memory_space<vmem>>, %arg12: memref<6272xi32, #tpu.memory_space<vmem>>, %arg13: memref<6272xf32, #tpu.memory_space<vmem>>, %arg14: memref<6272xf32, #tpu.memory_space<vmem>>, %arg15: memref<262160xf32, #tpu.memory_space<vmem_shared>>, %arg16: memref<262160xf32, #tpu.memory_space<vmem_shared>>, %arg17: memref<!tpu.dma_semaphore, #tpu.memory_space<semaphore_mem>>, %arg18: memref<!tpu.dma_semaphore, #tpu.memory_space<semaphore_mem>>, %arg19: memref<!tpu.dma_semaphore, #tpu.memory_space<semaphore_mem>>, %arg20: memref<!tpu.dma_semaphore, #tpu.memory_space<semaphore_mem>>, %arg21: memref<!tpu.dma_semaphore, #tpu.memory_space<semaphore_mem>>) attributes {dimension_semantics = [#tpu.dimension_semantics<core_parallel>, #tpu.dimension_semantics<subcore_parallel>], iteration_bounds = array<i64: 2, 16>, scalar_prefetch = 0 : i64, scratch_operands = 13 : i64, tpu.core_type = #tpu.core_type<sc_vector_subcore>, window_params = [{transform_indices = #map}, {transform_indices = #map1}, {transform_indices = #map2}, {transform_indices = #map2}, {transform_indices = #map2}, {transform_indices = #map2}, {transform_indices = #map}]} {
    "tpu.region"() ({
      %run_scoped3A = tpu.sem_alloc : memref<!tpu.dma_semaphore, #tpu.memory_space<semaphore_mem>>
      %dma_start3A_58 = arith.constant 0 : i32
      %dma_start3A_59 = tpu.memref_slice %arg4[%arg1, %dma_start3A_58] : memref<16x6272xi32, #tpu.memory_space<hbm>> -> memref<1x6272xi32, #tpu.memory_space<hbm>>
      %dma_start3A_60 = tpu.memref_squeeze %dma_start3A_59 : memref<1x6272xi32, #tpu.memory_space<hbm>> -> memref<6272xi32, #tpu.memory_space<hbm>>
      %dma_start3A_61 = arith.constant 0 : i32
      %dma_start3A_62 = tpu.memref_slice %arg4[%arg1, %dma_start3A_61] : memref<16x6272xi32, #tpu.memory_space<hbm>> -> memref<1x6272xi32, #tpu.memory_space<hbm>>
      %dma_start3A_63 = tpu.memref_squeeze %dma_start3A_62 : memref<1x6272xi32, #tpu.memory_space<hbm>> -> memref<6272xi32, #tpu.memory_space<hbm>>
      tpu.enqueue_dma source(%dma_start3A_63 : memref<6272xi32, #tpu.memory_space<hbm>>) target(%arg9 : memref<6272xi32, #tpu.memory_space<vmem>>) target_semaphore(%run_scoped3A : memref<!tpu.dma_semaphore, #tpu.memory_space<semaphore_mem>>)
      %dma_wait3A = arith.constant 0 : i32
      %dma_wait3A_64 = tpu.memref_slice %arg4[%arg1, %dma_wait3A] : memref<16x6272xi32, #tpu.memory_space<hbm>> -> memref<1x6272xi32, #tpu.memory_space<hbm>>
      %dma_wait3A_65 = tpu.memref_squeeze %dma_wait3A_64 : memref<1x6272xi32, #tpu.memory_space<hbm>> -> memref<6272xi32, #tpu.memory_space<hbm>>
      %dma_wait3A_66 = arith.constant 0 : i32
      %dma_wait3A_67 = tpu.memref_slice %arg4[%arg1, %dma_wait3A_66] : memref<16x6272xi32, #tpu.memory_space<hbm>> -> memref<1x6272xi32, #tpu.memory_space<hbm>>
      %dma_wait3A_68 = tpu.memref_squeeze %dma_wait3A_67 : memref<1x6272xi32, #tpu.memory_space<hbm>> -> memref<6272xi32, #tpu.memory_space<hbm>>
      tpu.wait_dma2 semaphore(%run_scoped3A : memref<!tpu.dma_semaphore, #tpu.memory_space<semaphore_mem>>) src(%dma_wait3A_68 : memref<6272xi32, #tpu.memory_space<hbm>>) dst(%arg9 : memref<6272xi32, #tpu.memory_space<vmem>>)
      tpu.yield
    }) : () -> ()
    "tpu.region"() ({
      %run_scoped3A = tpu.sem_alloc : memref<!tpu.dma_semaphore, #tpu.memory_space<semaphore_mem>>
      %dma_start3A_58 = arith.constant 0 : i32
      %dma_start3A_59 = tpu.memref_slice %arg5[%arg1, %dma_start3A_58] : memref<16x6272xi32, #tpu.memory_space<hbm>> -> memref<1x6272xi32, #tpu.memory_space<hbm>>
      %dma_start3A_60 = tpu.memref_squeeze %dma_start3A_59 : memref<1x6272xi32, #tpu.memory_space<hbm>> -> memref<6272xi32, #tpu.memory_space<hbm>>
      %dma_start3A_61 = arith.constant 0 : i32
      %dma_start3A_62 = tpu.memref_slice %arg5[%arg1, %dma_start3A_61] : memref<16x6272xi32, #tpu.memory_space<hbm>> -> memref<1x6272xi32, #tpu.memory_space<hbm>>
      %dma_start3A_63 = tpu.memref_squeeze %dma_start3A_62 : memref<1x6272xi32, #tpu.memory_space<hbm>> -> memref<6272xi32, #tpu.memory_space<hbm>>
      tpu.enqueue_dma source(%dma_start3A_63 : memref<6272xi32, #tpu.memory_space<hbm>>) target(%arg10 : memref<6272xi32, #tpu.memory_space<vmem>>) target_semaphore(%run_scoped3A : memref<!tpu.dma_semaphore, #tpu.memory_space<semaphore_mem>>)
      %dma_wait3A = arith.constant 0 : i32
      %dma_wait3A_64 = tpu.memref_slice %arg5[%arg1, %dma_wait3A] : memref<16x6272xi32, #tpu.memory_space<hbm>> -> memref<1x6272xi32, #tpu.memory_space<hbm>>
      %dma_wait3A_65 = tpu.memref_squeeze %dma_wait3A_64 : memref<1x6272xi32, #tpu.memory_space<hbm>> -> memref<6272xi32, #tpu.memory_space<hbm>>
      %dma_wait3A_66 = arith.constant 0 : i32
      %dma_wait3A_67 = tpu.memref_slice %arg5[%arg1, %dma_wait3A_66] : memref<16x6272xi32, #tpu.memory_space<hbm>> -> memref<1x6272xi32, #tpu.memory_space<hbm>>
      %dma_wait3A_68 = tpu.memref_squeeze %dma_wait3A_67 : memref<1x6272xi32, #tpu.memory_space<hbm>> -> memref<6272xi32, #tpu.memory_space<hbm>>
      tpu.wait_dma2 semaphore(%run_scoped3A : memref<!tpu.dma_semaphore, #tpu.memory_space<semaphore_mem>>) src(%dma_wait3A_68 : memref<6272xi32, #tpu.memory_space<hbm>>) dst(%arg10 : memref<6272xi32, #tpu.memory_space<vmem>>)
      tpu.yield
    }) : () -> ()
    %scan3A = arith.constant 0 : i32
    %scan3A_0 = arith.constant 0 : i32
    %scan3A_1 = arith.constant 392 : i32
    %scan3A_2 = arith.addi %scan3A_0, %scan3A_1 : i32
    %scan3A_3 = arith.constant 1 : i32
    scf.for %scan3A_58 = %scan3A_0 to %scan3A_2 step %scan3A_3  : i32 {
      %mul3A_59 = arith.constant 16 : i32
      %mul3A_60 = arith.muli %scan3A_58, %mul3A_59 : i32
      %get3A = arith.index_cast %mul3A_60 : i32 to index
      %get3A_61 = tpu.vector_load %arg10[%get3A] {strides = array<i32>} : memref<6272xi32, #tpu.memory_space<vmem>>, vector<16xi32>,
      %get3A_62 = vector.shape_cast %get3A_61 : vector<16xi32> to vector<16xi32>
      %mul3A_63 = arith.constant 2048 : i32
      %mul3A_64 = vector.broadcast %mul3A_63 : i32 to vector<16xi32>
      %mul3A_65 = arith.muli %get3A_62, %mul3A_64 : vector<16xi32>
      %get3A_66 = arith.index_cast %mul3A_60 : i32 to index
      %get3A_67 = tpu.vector_load %arg9[%get3A_66] {strides = array<i32>} : memref<6272xi32, #tpu.memory_space<vmem>>, vector<16xi32>,
      %get3A_68 = vector.shape_cast %get3A_67 : vector<16xi32> to vector<16xi32>
      %add3A_69 = arith.addi %mul3A_65, %get3A_68 : vector<16xi32>
      %swap3A = arith.index_cast %mul3A_60 : i32 to index
      %swap3A_70 = tpu.vector_load %arg11[%swap3A] {strides = array<i32>} : memref<6272xi32, #tpu.memory_space<vmem>>, vector<16xi32>,
      %swap3A_71 = vector.shape_cast %swap3A_70 : vector<16xi32> to vector<16xi32>
      %swap3A_72 = vector.shape_cast %add3A_69 : vector<16xi32> to vector<16xi32>
      tpu.vector_store %arg11[%swap3A], %swap3A_72 {strides = array<i32>} : memref<6272xi32, #tpu.memory_space<vmem>>, vector<16xi32>,
    }
    %scan3A_4 = arith.constant 392 : i32
    "tpu.region"() ({
      %run_scoped3A = tpu.sem_alloc : memref<!tpu.dma_semaphore, #tpu.memory_space<semaphore_mem>>
      %dma_start3A_58 = arith.constant 0 : i32
      %dma_start3A_59 = tpu.memref_slice %arg6[%arg1, %dma_start3A_58] : memref<16x6272xi32, #tpu.memory_space<hbm>> -> memref<1x6272xi32, #tpu.memory_space<hbm>>
      %dma_start3A_60 = tpu.memref_squeeze %dma_start3A_59 : memref<1x6272xi32, #tpu.memory_space<hbm>> -> memref<6272xi32, #tpu.memory_space<hbm>>
      %dma_start3A_61 = arith.constant 0 : i32
      %dma_start3A_62 = tpu.memref_slice %arg6[%arg1, %dma_start3A_61] : memref<16x6272xi32, #tpu.memory_space<hbm>> -> memref<1x6272xi32, #tpu.memory_space<hbm>>
      %dma_start3A_63 = tpu.memref_squeeze %dma_start3A_62 : memref<1x6272xi32, #tpu.memory_space<hbm>> -> memref<6272xi32, #tpu.memory_space<hbm>>
      tpu.enqueue_dma source(%dma_start3A_63 : memref<6272xi32, #tpu.memory_space<hbm>>) target(%arg9 : memref<6272xi32, #tpu.memory_space<vmem>>) target_semaphore(%run_scoped3A : memref<!tpu.dma_semaphore, #tpu.memory_space<semaphore_mem>>)
      %dma_wait3A = arith.constant 0 : i32
      %dma_wait3A_64 = tpu.memref_slice %arg6[%arg1, %dma_wait3A] : memref<16x6272xi32, #tpu.memory_space<hbm>> -> memref<1x6272xi32, #tpu.memory_space<hbm>>
      %dma_wait3A_65 = tpu.memref_squeeze %dma_wait3A_64 : memref<1x6272xi32, #tpu.memory_space<hbm>> -> memref<6272xi32, #tpu.memory_space<hbm>>
      %dma_wait3A_66 = arith.constant 0 : i32
      %dma_wait3A_67 = tpu.memref_slice %arg6[%arg1, %dma_wait3A_66] : memref<16x6272xi32, #tpu.memory_space<hbm>> -> memref<1x6272xi32, #tpu.memory_space<hbm>>
      %dma_wait3A_68 = tpu.memref_squeeze %dma_wait3A_67 : memref<1x6272xi32, #tpu.memory_space<hbm>> -> memref<6272xi32, #tpu.memory_space<hbm>>
      tpu.wait_dma2 semaphore(%run_scoped3A : memref<!tpu.dma_semaphore, #tpu.memory_space<semaphore_mem>>) src(%dma_wait3A_68 : memref<6272xi32, #tpu.memory_space<hbm>>) dst(%arg9 : memref<6272xi32, #tpu.memory_space<vmem>>)
      tpu.yield
    }) : () -> ()
    "tpu.region"() ({
      %run_scoped3A = tpu.sem_alloc : memref<!tpu.dma_semaphore, #tpu.memory_space<semaphore_mem>>
      %dma_start3A_58 = arith.constant 0 : i32
      %dma_start3A_59 = tpu.memref_slice %arg7[%arg1, %dma_start3A_58] : memref<16x6272xi32, #tpu.memory_space<hbm>> -> memref<1x6272xi32, #tpu.memory_space<hbm>>
      %dma_start3A_60 = tpu.memref_squeeze %dma_start3A_59 : memref<1x6272xi32, #tpu.memory_space<hbm>> -> memref<6272xi32, #tpu.memory_space<hbm>>
      %dma_start3A_61 = arith.constant 0 : i32
      %dma_start3A_62 = tpu.memref_slice %arg7[%arg1, %dma_start3A_61] : memref<16x6272xi32, #tpu.memory_space<hbm>> -> memref<1x6272xi32, #tpu.memory_space<hbm>>
      %dma_start3A_63 = tpu.memref_squeeze %dma_start3A_62 : memref<1x6272xi32, #tpu.memory_space<hbm>> -> memref<6272xi32, #tpu.memory_space<hbm>>
      tpu.enqueue_dma source(%dma_start3A_63 : memref<6272xi32, #tpu.memory_space<hbm>>) target(%arg10 : memref<6272xi32, #tpu.memory_space<vmem>>) target_semaphore(%run_scoped3A : memref<!tpu.dma_semaphore, #tpu.memory_space<semaphore_mem>>)
      %dma_wait3A = arith.constant 0 : i32
      %dma_wait3A_64 = tpu.memref_slice %arg7[%arg1, %dma_wait3A] : memref<16x6272xi32, #tpu.memory_space<hbm>> -> memref<1x6272xi32, #tpu.memory_space<hbm>>
      %dma_wait3A_65 = tpu.memref_squeeze %dma_wait3A_64 : memref<1x6272xi32, #tpu.memory_space<hbm>> -> memref<6272xi32, #tpu.memory_space<hbm>>
      %dma_wait3A_66 = arith.constant 0 : i32
      %dma_wait3A_67 = tpu.memref_slice %arg7[%arg1, %dma_wait3A_66] : memref<16x6272xi32, #tpu.memory_space<hbm>> -> memref<1x6272xi32, #tpu.memory_space<hbm>>
      %dma_wait3A_68 = tpu.memref_squeeze %dma_wait3A_67 : memref<1x6272xi32, #tpu.memory_space<hbm>> -> memref<6272xi32, #tpu.memory_space<hbm>>
      tpu.wait_dma2 semaphore(%run_scoped3A : memref<!tpu.dma_semaphore, #tpu.memory_space<semaphore_mem>>) src(%dma_wait3A_68 : memref<6272xi32, #tpu.memory_space<hbm>>) dst(%arg10 : memref<6272xi32, #tpu.memory_space<vmem>>)
      tpu.yield
    }) : () -> ()
    %scan3A_5 = arith.constant 0 : i32
    %scan3A_6 = arith.constant 0 : i32
    %scan3A_7 = arith.constant 392 : i32
    %scan3A_8 = arith.addi %scan3A_6, %scan3A_7 : i32
    %scan3A_9 = arith.constant 1 : i32
    scf.for %scan3A_58 = %scan3A_6 to %scan3A_8 step %scan3A_9  : i32 {
      %mul3A_59 = arith.constant 16 : i32
      %mul3A_60 = arith.muli %scan3A_58, %mul3A_59 : i32
      %get3A = arith.index_cast %mul3A_60 : i32 to index
      %get3A_61 = tpu.vector_load %arg9[%get3A] {strides = array<i32>} : memref<6272xi32, #tpu.memory_space<vmem>>, vector<16xi32>,
      %get3A_62 = vector.shape_cast %get3A_61 : vector<16xi32> to vector<16xi32>
      %mul3A_63 = arith.constant 512 : i32
      %mul3A_64 = vector.broadcast %mul3A_63 : i32 to vector<16xi32>
      %mul3A_65 = arith.muli %get3A_62, %mul3A_64 : vector<16xi32>
      %get3A_66 = arith.index_cast %mul3A_60 : i32 to index
      %get3A_67 = tpu.vector_load %arg10[%get3A_66] {strides = array<i32>} : memref<6272xi32, #tpu.memory_space<vmem>>, vector<16xi32>,
      %get3A_68 = vector.shape_cast %get3A_67 : vector<16xi32> to vector<16xi32>
      %add3A_69 = arith.addi %mul3A_65, %get3A_68 : vector<16xi32>
      %swap3A = arith.index_cast %mul3A_60 : i32 to index
      %swap3A_70 = tpu.vector_load %arg12[%swap3A] {strides = array<i32>} : memref<6272xi32, #tpu.memory_space<vmem>>, vector<16xi32>,
      %swap3A_71 = vector.shape_cast %swap3A_70 : vector<16xi32> to vector<16xi32>
      %swap3A_72 = vector.shape_cast %add3A_69 : vector<16xi32> to vector<16xi32>
      tpu.vector_store %arg12[%swap3A], %swap3A_72 {strides = array<i32>} : memref<6272xi32, #tpu.memory_space<vmem>>, vector<16xi32>,
    }
    %scan3A_10 = arith.constant 392 : i32
    %mul3A = arith.constant 32 : i32
    %mul3A_11 = arith.muli %arg1, %mul3A : i32
    %mul3A_12 = arith.constant 32 : i32
    %mul3A_13 = arith.muli %arg0, %mul3A_12 : i32
    %add3A = arith.constant 0 : i32
    %add3A_14 = arith.addi %mul3A_13, %add3A : i32
    %mul3A_15 = arith.constant 262144 : i32
    %mul3A_16 = arith.muli %add3A_14, %mul3A_15 : i32
    %dma_start3A = tpu.memref_slice %arg3[%mul3A_16] : memref<16777216xf32, #tpu.memory_space<hbm>> -> memref<262144xf32, #tpu.memory_space<hbm>>
    %dma_start3A_17 = arith.constant 0 : i32
    %dma_start3A_18 = tpu.memref_slice %dma_start3A[%dma_start3A_17] : memref<262144xf32, #tpu.memory_space<hbm>> -> memref<262144xf32, #tpu.memory_space<hbm>>
    tpu.enqueue_indirect_dma source(%dma_start3A_18 : memref<262144xf32, #tpu.memory_space<hbm>>) target(%arg13 : memref<6272xf32, #tpu.memory_space<vmem>>) offsets(%arg11 : memref<6272xi32, #tpu.memory_space<vmem>>) semaphore(%arg17 : memref<!tpu.dma_semaphore, #tpu.memory_space<semaphore_mem>>)
    %mul3A_19 = arith.constant 32 : i32
    %mul3A_20 = arith.muli %arg0, %mul3A_19 : i32
    %add3A_21 = arith.constant 1 : i32
    %add3A_22 = arith.addi %mul3A_20, %add3A_21 : i32
    %mul3A_23 = arith.constant 262144 : i32
    %mul3A_24 = arith.muli %add3A_22, %mul3A_23 : i32
    %dma_start3A_25 = tpu.memref_slice %arg3[%mul3A_24] : memref<16777216xf32, #tpu.memory_space<hbm>> -> memref<262144xf32, #tpu.memory_space<hbm>>
    %dma_start3A_26 = arith.constant 0 : i32
    %dma_start3A_27 = tpu.memref_slice %dma_start3A_25[%dma_start3A_26] : memref<262144xf32, #tpu.memory_space<hbm>> -> memref<262144xf32, #tpu.memory_space<hbm>>
    tpu.enqueue_indirect_dma source(%dma_start3A_27 : memref<262144xf32, #tpu.memory_space<hbm>>) target(%arg14 : memref<6272xf32, #tpu.memory_space<vmem>>) offsets(%arg11 : memref<6272xi32, #tpu.memory_space<vmem>>) semaphore(%arg18 : memref<!tpu.dma_semaphore, #tpu.memory_space<semaphore_mem>>)
    %scan3A_28 = arith.constant 0 : i32
    %scan3A_29 = arith.constant 0 : i32
    %scan3A_30 = arith.constant 32 : i32
    %scan3A_31 = arith.addi %scan3A_29, %scan3A_30 : i32
    %scan3A_32 = arith.constant 1 : i32
    scf.for %scan3A_58 = %scan3A_29 to %scan3A_31 step %scan3A_32  : i32 {
      %mul3A_59 = arith.constant 32 : i32
      %mul3A_60 = arith.muli %arg0, %mul3A_59 : i32
      %add3A_61 = arith.constant 0 : i32
      %add3A_62 = arith.addi %mul3A_60, %add3A_61 : i32
      %add3A_63 = arith.addi %mul3A_11, %scan3A_58 : i32
      %add3A_64 = arith.addi %mul3A_11, %scan3A_58 : i32
      %mul3A_65 = arith.constant 512 : i32
      %mul3A_66 = arith.muli %add3A_64, %mul3A_65 : i32
      %dma_start3A_67 = tpu.memref_slice %arg15[%mul3A_66] : memref<262160xf32, #tpu.memory_space<vmem_shared>> -> memref<512xf32, #tpu.memory_space<vmem_shared>>
      %dma_start3A_68 = arith.constant 0 : i32
      %dma_start3A_69 = tpu.memref_slice %arg2[%add3A_62, %add3A_63, %dma_start3A_68] : memref<64x512x512xf32, #tpu.memory_space<hbm>> -> memref<1x1x512xf32, #tpu.memory_space<hbm>>
      %dma_start3A_70 = tpu.memref_squeeze %dma_start3A_69 : memref<1x1x512xf32, #tpu.memory_space<hbm>> -> memref<512xf32, #tpu.memory_space<hbm>>
      tpu.enqueue_dma source(%dma_start3A_70 : memref<512xf32, #tpu.memory_space<hbm>>) target(%dma_start3A_67 : memref<512xf32, #tpu.memory_space<vmem_shared>>) target_semaphore(%arg20 : memref<!tpu.dma_semaphore, #tpu.memory_space<semaphore_mem>>)
    }
    %scan3A_33 = arith.constant 32 : i32
    %scan3A_34 = arith.constant 0 : i32
    %scan3A_35 = arith.constant 0 : i32
    %scan3A_36 = arith.constant 32 : i32
    %scan3A_37 = arith.addi %scan3A_35, %scan3A_36 : i32
    %scan3A_38 = arith.constant 1 : i32
    scf.for %scan3A_58 = %scan3A_35 to %scan3A_37 step %scan3A_38  : i32 {
      %mul3A_59 = arith.constant 32 : i32
      %mul3A_60 = arith.muli %arg0, %mul3A_59 : i32
      %add3A_61 = arith.constant 0 : i32
      %add3A_62 = arith.addi %mul3A_60, %add3A_61 : i32
      %add3A_63 = arith.addi %mul3A_11, %scan3A_58 : i32
      %add3A_64 = arith.addi %mul3A_11, %scan3A_58 : i32
      %mul3A_65 = arith.constant 512 : i32
      %mul3A_66 = arith.muli %add3A_64, %mul3A_65 : i32
      %dma_wait3A = tpu.memref_slice %arg15[%mul3A_66] : memref<262160xf32, #tpu.memory_space<vmem_shared>> -> memref<512xf32, #tpu.memory_space<vmem_shared>>
      %dma_wait3A_67 = arith.constant 0 : i32
      %dma_wait3A_68 = tpu.memref_slice %arg2[%add3A_62, %add3A_63, %dma_wait3A_67] : memref<64x512x512xf32, #tpu.memory_space<hbm>> -> memref<1x1x512xf32, #tpu.memory_space<hbm>>
      %dma_wait3A_69 = tpu.memref_squeeze %dma_wait3A_68 : memref<1x1x512xf32, #tpu.memory_space<hbm>> -> memref<512xf32, #tpu.memory_space<hbm>>
      tpu.wait_dma2 semaphore(%arg20 : memref<!tpu.dma_semaphore, #tpu.memory_space<semaphore_mem>>) src(%dma_wait3A_69 : memref<512xf32, #tpu.memory_space<hbm>>) dst(%dma_wait3A : memref<512xf32, #tpu.memory_space<vmem_shared>>)
    }
    %scan3A_39 = arith.constant 32 : i32
    %barrier3A = arith.constant 0 : index
    tpu.barrier barrier_id(%barrier3A)
    %scan3A_40 = arith.constant 0 : i32
    %scan3A_41 = arith.constant 0 : i32
    %scan3A_42 = arith.constant 32 : i32
    %scan3A_43 = arith.addi %scan3A_41, %scan3A_42 : i32
    %scan3A_44 = arith.constant 1 : i32
    scf.for %scan3A_58 = %scan3A_41 to %scan3A_43 step %scan3A_44  : i32 {
      %jit3A = arith.constant 2 : i32
      %eq3A = arith.constant 0 : i32
      %eq3A_59 = arith.cmpi eq, %jit3A, %eq3A : i32
      %jit3A_60 = arith.constant 1 : i32
      %select_n3A = arith.select %eq3A_59, %jit3A_60, %jit3A : i32
      %rem3A = arith.remsi %scan3A_58, %select_n3A : i32
      %ne3A = arith.constant 0 : i32
      %ne3A_61 = arith.cmpi ne, %rem3A, %ne3A : i32
      %lt3A = arith.constant 0 : i32
      %lt3A_62 = arith.cmpi slt, %rem3A, %lt3A : i32
      %lt3A_63 = arith.constant 0 : i32
      %lt3A_64 = arith.cmpi slt, %select_n3A, %lt3A_63 : i32
      %ne3A_65 = arith.xori %lt3A_62, %lt3A_64 : i1
      %and3A = arith.andi %ne3A_65, %ne3A_61 : i1
      %add3A_66 = arith.addi %rem3A, %select_n3A : i32
      %select_n3A_67 = arith.select %and3A, %add3A_66, %rem3A : i32
      %eq3A_68 = arith.constant 0 : i32
      %eq3A_69 = arith.cmpi eq, %select_n3A_67, %eq3A_68 : i32
      %convert_element_type3A = arith.extui %eq3A_69 : i1 to i32
      %cond3A = arith.constant 0 : i32
      %cond3A_70 = arith.cmpi ne, %convert_element_type3A, %cond3A : i32
      scf.if %cond3A_70 {
        %mul3A_92 = arith.constant 32 : i32
        %mul3A_93 = arith.muli %arg0, %mul3A_92 : i32
        %add3A_94 = arith.addi %mul3A_93, %scan3A_58 : i32
        %mul3A_95 = arith.constant 262144 : i32
        %mul3A_96 = arith.muli %add3A_94, %mul3A_95 : i32
        %dma_wait3A = tpu.memref_slice %arg3[%mul3A_96] : memref<16777216xf32, #tpu.memory_space<hbm>> -> memref<262144xf32, #tpu.memory_space<hbm>>
        %dma_wait3A_97 = arith.constant 0 : i32
        %dma_wait3A_98 = tpu.memref_slice %dma_wait3A[%dma_wait3A_97] : memref<262144xf32, #tpu.memory_space<hbm>> -> memref<262144xf32, #tpu.memory_space<hbm>>
        tpu.wait_indirect_dma semaphore(%arg17 : memref<!tpu.dma_semaphore, #tpu.memory_space<semaphore_mem>>) src(%dma_wait3A_98 : memref<262144xf32, #tpu.memory_space<hbm>>) dst(%arg13 : memref<6272xf32, #tpu.memory_space<vmem>>)
        %dma_start3A_99 = arith.constant 0 : i32
        %dma_start3A_100 = tpu.memref_slice %arg15[%dma_start3A_99] : memref<262160xf32, #tpu.memory_space<vmem_shared>> -> memref<262160xf32, #tpu.memory_space<vmem_shared>>
        tpu.enqueue_indirect_dma source(%arg13 : memref<6272xf32, #tpu.memory_space<vmem>>) target(%dma_start3A_100 : memref<262160xf32, #tpu.memory_space<vmem_shared>>) offsets(%arg12 : memref<6272xi32, #tpu.memory_space<vmem>>) semaphore(%arg19 : memref<!tpu.dma_semaphore, #tpu.memory_space<semaphore_mem>>) {add = true}
        %ge3A = arith.constant 1 : i32
        %ge3A_101 = arith.cmpi sge, %scan3A_58, %ge3A : i32
        %convert_element_type3A_102 = arith.extui %ge3A_101 : i1 to i32
        %cond3A_103 = arith.constant 0 : i32
        %cond3A_104 = arith.cmpi ne, %convert_element_type3A_102, %cond3A_103 : i32
        scf.if %cond3A_104 {
          %sub3A = arith.constant 1 : i32
          %sub3A_118 = arith.subi %scan3A_58, %sub3A : i32
          %scan3A_119 = arith.constant 0 : i32
          %scan3A_120 = arith.constant 0 : i32
          %scan3A_121 = arith.constant 32 : i32
          %scan3A_122 = arith.addi %scan3A_120, %scan3A_121 : i32
          %scan3A_123 = arith.constant 1 : i32
          scf.for %scan3A_133 = %scan3A_120 to %scan3A_122 step %scan3A_123  : i32 {
            %add3A_134 = arith.addi %mul3A_11, %scan3A_133 : i32
            %mul3A_135 = arith.constant 512 : i32
            %mul3A_136 = arith.muli %add3A_134, %mul3A_135 : i32
            %mul3A_137 = arith.constant 32 : i32
            %mul3A_138 = arith.muli %arg0, %mul3A_137 : i32
            %add3A_139 = arith.addi %mul3A_138, %sub3A_118 : i32
            %add3A_140 = arith.addi %mul3A_11, %scan3A_133 : i32
            %dma_start3A_141 = arith.constant 0 : i32
            %dma_start3A_142 = tpu.memref_slice %arg8[%add3A_139, %add3A_140, %dma_start3A_141] : memref<64x512x512xf32, #tpu.memory_space<hbm>> -> memref<1x1x512xf32, #tpu.memory_space<hbm>>
            %dma_start3A_143 = tpu.memref_squeeze %dma_start3A_142 : memref<1x1x512xf32, #tpu.memory_space<hbm>> -> memref<512xf32, #tpu.memory_space<hbm>>
            %dma_start3A_144 = tpu.memref_slice %arg16[%mul3A_136] : memref<262160xf32, #tpu.memory_space<vmem_shared>> -> memref<512xf32, #tpu.memory_space<vmem_shared>>
            tpu.enqueue_dma source(%dma_start3A_144 : memref<512xf32, #tpu.memory_space<vmem_shared>>) target(%dma_start3A_143 : memref<512xf32, #tpu.memory_space<hbm>>) target_semaphore(%arg21 : memref<!tpu.dma_semaphore, #tpu.memory_space<semaphore_mem>>)
          }
          %scan3A_124 = arith.constant 32 : i32
          %sub3A_125 = arith.constant 1 : i32
          %sub3A_126 = arith.subi %scan3A_58, %sub3A_125 : i32
          %scan3A_127 = arith.constant 0 : i32
          %scan3A_128 = arith.constant 0 : i32
          %scan3A_129 = arith.constant 32 : i32
          %scan3A_130 = arith.addi %scan3A_128, %scan3A_129 : i32
          %scan3A_131 = arith.constant 1 : i32
          scf.for %scan3A_133 = %scan3A_128 to %scan3A_130 step %scan3A_131  : i32 {
            %add3A_134 = arith.addi %mul3A_11, %scan3A_133 : i32
            %mul3A_135 = arith.constant 512 : i32
            %mul3A_136 = arith.muli %add3A_134, %mul3A_135 : i32
            %mul3A_137 = arith.constant 32 : i32
            %mul3A_138 = arith.muli %arg0, %mul3A_137 : i32
            %add3A_139 = arith.addi %mul3A_138, %sub3A_126 : i32
            %add3A_140 = arith.addi %mul3A_11, %scan3A_133 : i32
            %dma_wait3A_141 = arith.constant 0 : i32
            %dma_wait3A_142 = tpu.memref_slice %arg8[%add3A_139, %add3A_140, %dma_wait3A_141] : memref<64x512x512xf32, #tpu.memory_space<hbm>> -> memref<1x1x512xf32, #tpu.memory_space<hbm>>
            %dma_wait3A_143 = tpu.memref_squeeze %dma_wait3A_142 : memref<1x1x512xf32, #tpu.memory_space<hbm>> -> memref<512xf32, #tpu.memory_space<hbm>>
            %dma_wait3A_144 = tpu.memref_slice %arg16[%mul3A_136] : memref<262160xf32, #tpu.memory_space<vmem_shared>> -> memref<512xf32, #tpu.memory_space<vmem_shared>>
            tpu.wait_dma2 semaphore(%arg21 : memref<!tpu.dma_semaphore, #tpu.memory_space<semaphore_mem>>) src(%dma_wait3A_144 : memref<512xf32, #tpu.memory_space<vmem_shared>>) dst(%dma_wait3A_143 : memref<512xf32, #tpu.memory_space<hbm>>)
          }
          %scan3A_132 = arith.constant 32 : i32
        } else {
        }
        %lt3A_105 = arith.constant 31 : i32
        %lt3A_106 = arith.cmpi slt, %scan3A_58, %lt3A_105 : i32
        %convert_element_type3A_107 = arith.extui %lt3A_106 : i1 to i32
        %cond3A_108 = arith.constant 0 : i32
        %cond3A_109 = arith.cmpi ne, %convert_element_type3A_107, %cond3A_108 : i32
        scf.if %cond3A_109 {
          %add3A_118 = arith.constant 1 : i32
          %add3A_119 = arith.addi %scan3A_58, %add3A_118 : i32
          %scan3A_120 = arith.constant 0 : i32
          %scan3A_121 = arith.constant 0 : i32
          %scan3A_122 = arith.constant 32 : i32
          %scan3A_123 = arith.addi %scan3A_121, %scan3A_122 : i32
          %scan3A_124 = arith.constant 1 : i32
          scf.for %scan3A_134 = %scan3A_121 to %scan3A_123 step %scan3A_124  : i32 {
            %mul3A_135 = arith.constant 32 : i32
            %mul3A_136 = arith.muli %arg0, %mul3A_135 : i32
            %add3A_137 = arith.addi %mul3A_136, %add3A_119 : i32
            %add3A_138 = arith.addi %mul3A_11, %scan3A_134 : i32
            %add3A_139 = arith.addi %mul3A_11, %scan3A_134 : i32
            %mul3A_140 = arith.constant 512 : i32
            %mul3A_141 = arith.muli %add3A_139, %mul3A_140 : i32
            %dma_start3A_142 = tpu.memref_slice %arg16[%mul3A_141] : memref<262160xf32, #tpu.memory_space<vmem_shared>> -> memref<512xf32, #tpu.memory_space<vmem_shared>>
            %dma_start3A_143 = arith.constant 0 : i32
            %dma_start3A_144 = tpu.memref_slice %arg2[%add3A_137, %add3A_138, %dma_start3A_143] : memref<64x512x512xf32, #tpu.memory_space<hbm>> -> memref<1x1x512xf32, #tpu.memory_space<hbm>>
            %dma_start3A_145 = tpu.memref_squeeze %dma_start3A_144 : memref<1x1x512xf32, #tpu.memory_space<hbm>> -> memref<512xf32, #tpu.memory_space<hbm>>
            tpu.enqueue_dma source(%dma_start3A_145 : memref<512xf32, #tpu.memory_space<hbm>>) target(%dma_start3A_142 : memref<512xf32, #tpu.memory_space<vmem_shared>>) target_semaphore(%arg20 : memref<!tpu.dma_semaphore, #tpu.memory_space<semaphore_mem>>)
          }
          %scan3A_125 = arith.constant 32 : i32
          %add3A_126 = arith.constant 1 : i32
          %add3A_127 = arith.addi %scan3A_58, %add3A_126 : i32
          %scan3A_128 = arith.constant 0 : i32
          %scan3A_129 = arith.constant 0 : i32
          %scan3A_130 = arith.constant 32 : i32
          %scan3A_131 = arith.addi %scan3A_129, %scan3A_130 : i32
          %scan3A_132 = arith.constant 1 : i32
          scf.for %scan3A_134 = %scan3A_129 to %scan3A_131 step %scan3A_132  : i32 {
            %mul3A_135 = arith.constant 32 : i32
            %mul3A_136 = arith.muli %arg0, %mul3A_135 : i32
            %add3A_137 = arith.addi %mul3A_136, %add3A_127 : i32
            %add3A_138 = arith.addi %mul3A_11, %scan3A_134 : i32
            %add3A_139 = arith.addi %mul3A_11, %scan3A_134 : i32
            %mul3A_140 = arith.constant 512 : i32
            %mul3A_141 = arith.muli %add3A_139, %mul3A_140 : i32
            %dma_wait3A_142 = tpu.memref_slice %arg16[%mul3A_141] : memref<262160xf32, #tpu.memory_space<vmem_shared>> -> memref<512xf32, #tpu.memory_space<vmem_shared>>
            %dma_wait3A_143 = arith.constant 0 : i32
            %dma_wait3A_144 = tpu.memref_slice %arg2[%add3A_137, %add3A_138, %dma_wait3A_143] : memref<64x512x512xf32, #tpu.memory_space<hbm>> -> memref<1x1x512xf32, #tpu.memory_space<hbm>>
            %dma_wait3A_145 = tpu.memref_squeeze %dma_wait3A_144 : memref<1x1x512xf32, #tpu.memory_space<hbm>> -> memref<512xf32, #tpu.memory_space<hbm>>
            tpu.wait_dma2 semaphore(%arg20 : memref<!tpu.dma_semaphore, #tpu.memory_space<semaphore_mem>>) src(%dma_wait3A_145 : memref<512xf32, #tpu.memory_space<hbm>>) dst(%dma_wait3A_142 : memref<512xf32, #tpu.memory_space<vmem_shared>>)
          }
          %scan3A_133 = arith.constant 32 : i32
        } else {
        }
        %dma_wait3A_110 = arith.constant 0 : i32
        %dma_wait3A_111 = tpu.memref_slice %arg15[%dma_wait3A_110] : memref<262160xf32, #tpu.memory_space<vmem_shared>> -> memref<262160xf32, #tpu.memory_space<vmem_shared>>
        tpu.wait_indirect_dma semaphore(%arg19 : memref<!tpu.dma_semaphore, #tpu.memory_space<semaphore_mem>>) src(%arg13 : memref<6272xf32, #tpu.memory_space<vmem>>) dst(%dma_wait3A_111 : memref<262160xf32, #tpu.memory_space<vmem_shared>>)
        %lt3A_112 = arith.constant 30 : i32
        %lt3A_113 = arith.cmpi slt, %scan3A_58, %lt3A_112 : i32
        %convert_element_type3A_114 = arith.extui %lt3A_113 : i1 to i32
        %cond3A_115 = arith.constant 0 : i32
        %cond3A_116 = arith.cmpi ne, %convert_element_type3A_114, %cond3A_115 : i32
        scf.if %cond3A_116 {
          %add3A_118 = arith.constant 2 : i32
          %add3A_119 = arith.addi %scan3A_58, %add3A_118 : i32
          %mul3A_120 = arith.constant 32 : i32
          %mul3A_121 = arith.muli %arg0, %mul3A_120 : i32
          %add3A_122 = arith.addi %mul3A_121, %add3A_119 : i32
          %mul3A_123 = arith.constant 262144 : i32
          %mul3A_124 = arith.muli %add3A_122, %mul3A_123 : i32
          %dma_start3A_125 = tpu.memref_slice %arg3[%mul3A_124] : memref<16777216xf32, #tpu.memory_space<hbm>> -> memref<262144xf32, #tpu.memory_space<hbm>>
          %dma_start3A_126 = arith.constant 0 : i32
          %dma_start3A_127 = tpu.memref_slice %dma_start3A_125[%dma_start3A_126] : memref<262144xf32, #tpu.memory_space<hbm>> -> memref<262144xf32, #tpu.memory_space<hbm>>
          tpu.enqueue_indirect_dma source(%dma_start3A_127 : memref<262144xf32, #tpu.memory_space<hbm>>) target(%arg13 : memref<6272xf32, #tpu.memory_space<vmem>>) offsets(%arg11 : memref<6272xi32, #tpu.memory_space<vmem>>) semaphore(%arg17 : memref<!tpu.dma_semaphore, #tpu.memory_space<semaphore_mem>>)
        } else {
        }
        %barrier3A_117 = arith.constant 0 : index
        tpu.barrier barrier_id(%barrier3A_117)
      } else {
      }
      %jit3A_71 = arith.constant 2 : i32
      %eq3A_72 = arith.constant 0 : i32
      %eq3A_73 = arith.cmpi eq, %jit3A_71, %eq3A_72 : i32
      %jit3A_74 = arith.constant 1 : i32
      %select_n3A_75 = arith.select %eq3A_73, %jit3A_74, %jit3A_71 : i32
      %rem3A_76 = arith.remsi %scan3A_58, %select_n3A_75 : i32
      %ne3A_77 = arith.constant 0 : i32
      %ne3A_78 = arith.cmpi ne, %rem3A_76, %ne3A_77 : i32
      %lt3A_79 = arith.constant 0 : i32
      %lt3A_80 = arith.cmpi slt, %rem3A_76, %lt3A_79 : i32
      %lt3A_81 = arith.constant 0 : i32
      %lt3A_82 = arith.cmpi slt, %select_n3A_75, %lt3A_81 : i32
      %ne3A_83 = arith.xori %lt3A_80, %lt3A_82 : i1
      %and3A_84 = arith.andi %ne3A_83, %ne3A_78 : i1
      %add3A_85 = arith.addi %rem3A_76, %select_n3A_75 : i32
      %select_n3A_86 = arith.select %and3A_84, %add3A_85, %rem3A_76 : i32
      %eq3A_87 = arith.constant 1 : i32
      %eq3A_88 = arith.cmpi eq, %select_n3A_86, %eq3A_87 : i32
      %convert_element_type3A_89 = arith.extui %eq3A_88 : i1 to i32
      %cond3A_90 = arith.constant 0 : i32
      %cond3A_91 = arith.cmpi ne, %convert_element_type3A_89, %cond3A_90 : i32
      scf.if %cond3A_91 {
        %mul3A_92 = arith.constant 32 : i32
        %mul3A_93 = arith.muli %arg0, %mul3A_92 : i32
        %add3A_94 = arith.addi %mul3A_93, %scan3A_58 : i32
        %mul3A_95 = arith.constant 262144 : i32
        %mul3A_96 = arith.muli %add3A_94, %mul3A_95 : i32
        %dma_wait3A = tpu.memref_slice %arg3[%mul3A_96] : memref<16777216xf32, #tpu.memory_space<hbm>> -> memref<262144xf32, #tpu.memory_space<hbm>>
        %dma_wait3A_97 = arith.constant 0 : i32
        %dma_wait3A_98 = tpu.memref_slice %dma_wait3A[%dma_wait3A_97] : memref<262144xf32, #tpu.memory_space<hbm>> -> memref<262144xf32, #tpu.memory_space<hbm>>
        tpu.wait_indirect_dma semaphore(%arg18 : memref<!tpu.dma_semaphore, #tpu.memory_space<semaphore_mem>>) src(%dma_wait3A_98 : memref<262144xf32, #tpu.memory_space<hbm>>) dst(%arg14 : memref<6272xf32, #tpu.memory_space<vmem>>)
        %dma_start3A_99 = arith.constant 0 : i32
        %dma_start3A_100 = tpu.memref_slice %arg16[%dma_start3A_99] : memref<262160xf32, #tpu.memory_space<vmem_shared>> -> memref<262160xf32, #tpu.memory_space<vmem_shared>>
        tpu.enqueue_indirect_dma source(%arg14 : memref<6272xf32, #tpu.memory_space<vmem>>) target(%dma_start3A_100 : memref<262160xf32, #tpu.memory_space<vmem_shared>>) offsets(%arg12 : memref<6272xi32, #tpu.memory_space<vmem>>) semaphore(%arg19 : memref<!tpu.dma_semaphore, #tpu.memory_space<semaphore_mem>>) {add = true}
        %ge3A = arith.constant 1 : i32
        %ge3A_101 = arith.cmpi sge, %scan3A_58, %ge3A : i32
        %convert_element_type3A_102 = arith.extui %ge3A_101 : i1 to i32
        %cond3A_103 = arith.constant 0 : i32
        %cond3A_104 = arith.cmpi ne, %convert_element_type3A_102, %cond3A_103 : i32
        scf.if %cond3A_104 {
          %sub3A = arith.constant 1 : i32
          %sub3A_118 = arith.subi %scan3A_58, %sub3A : i32
          %scan3A_119 = arith.constant 0 : i32
          %scan3A_120 = arith.constant 0 : i32
          %scan3A_121 = arith.constant 32 : i32
          %scan3A_122 = arith.addi %scan3A_120, %scan3A_121 : i32
          %scan3A_123 = arith.constant 1 : i32
          scf.for %scan3A_133 = %scan3A_120 to %scan3A_122 step %scan3A_123  : i32 {
            %add3A_134 = arith.addi %mul3A_11, %scan3A_133 : i32
            %mul3A_135 = arith.constant 512 : i32
            %mul3A_136 = arith.muli %add3A_134, %mul3A_135 : i32
            %mul3A_137 = arith.constant 32 : i32
            %mul3A_138 = arith.muli %arg0, %mul3A_137 : i32
            %add3A_139 = arith.addi %mul3A_138, %sub3A_118 : i32
            %add3A_140 = arith.addi %mul3A_11, %scan3A_133 : i32
            %dma_start3A_141 = arith.constant 0 : i32
            %dma_start3A_142 = tpu.memref_slice %arg8[%add3A_139, %add3A_140, %dma_start3A_141] : memref<64x512x512xf32, #tpu.memory_space<hbm>> -> memref<1x1x512xf32, #tpu.memory_space<hbm>>
            %dma_start3A_143 = tpu.memref_squeeze %dma_start3A_142 : memref<1x1x512xf32, #tpu.memory_space<hbm>> -> memref<512xf32, #tpu.memory_space<hbm>>
            %dma_start3A_144 = tpu.memref_slice %arg15[%mul3A_136] : memref<262160xf32, #tpu.memory_space<vmem_shared>> -> memref<512xf32, #tpu.memory_space<vmem_shared>>
            tpu.enqueue_dma source(%dma_start3A_144 : memref<512xf32, #tpu.memory_space<vmem_shared>>) target(%dma_start3A_143 : memref<512xf32, #tpu.memory_space<hbm>>) target_semaphore(%arg21 : memref<!tpu.dma_semaphore, #tpu.memory_space<semaphore_mem>>)
          }
          %scan3A_124 = arith.constant 32 : i32
          %sub3A_125 = arith.constant 1 : i32
          %sub3A_126 = arith.subi %scan3A_58, %sub3A_125 : i32
          %scan3A_127 = arith.constant 0 : i32
          %scan3A_128 = arith.constant 0 : i32
          %scan3A_129 = arith.constant 32 : i32
          %scan3A_130 = arith.addi %scan3A_128, %scan3A_129 : i32
          %scan3A_131 = arith.constant 1 : i32
          scf.for %scan3A_133 = %scan3A_128 to %scan3A_130 step %scan3A_131  : i32 {
            %add3A_134 = arith.addi %mul3A_11, %scan3A_133 : i32
            %mul3A_135 = arith.constant 512 : i32
            %mul3A_136 = arith.muli %add3A_134, %mul3A_135 : i32
            %mul3A_137 = arith.constant 32 : i32
            %mul3A_138 = arith.muli %arg0, %mul3A_137 : i32
            %add3A_139 = arith.addi %mul3A_138, %sub3A_126 : i32
            %add3A_140 = arith.addi %mul3A_11, %scan3A_133 : i32
            %dma_wait3A_141 = arith.constant 0 : i32
            %dma_wait3A_142 = tpu.memref_slice %arg8[%add3A_139, %add3A_140, %dma_wait3A_141] : memref<64x512x512xf32, #tpu.memory_space<hbm>> -> memref<1x1x512xf32, #tpu.memory_space<hbm>>
            %dma_wait3A_143 = tpu.memref_squeeze %dma_wait3A_142 : memref<1x1x512xf32, #tpu.memory_space<hbm>> -> memref<512xf32, #tpu.memory_space<hbm>>
            %dma_wait3A_144 = tpu.memref_slice %arg15[%mul3A_136] : memref<262160xf32, #tpu.memory_space<vmem_shared>> -> memref<512xf32, #tpu.memory_space<vmem_shared>>
            tpu.wait_dma2 semaphore(%arg21 : memref<!tpu.dma_semaphore, #tpu.memory_space<semaphore_mem>>) src(%dma_wait3A_144 : memref<512xf32, #tpu.memory_space<vmem_shared>>) dst(%dma_wait3A_143 : memref<512xf32, #tpu.memory_space<hbm>>)
          }
          %scan3A_132 = arith.constant 32 : i32
        } else {
        }
        %lt3A_105 = arith.constant 31 : i32
        %lt3A_106 = arith.cmpi slt, %scan3A_58, %lt3A_105 : i32
        %convert_element_type3A_107 = arith.extui %lt3A_106 : i1 to i32
        %cond3A_108 = arith.constant 0 : i32
        %cond3A_109 = arith.cmpi ne, %convert_element_type3A_107, %cond3A_108 : i32
        scf.if %cond3A_109 {
          %add3A_118 = arith.constant 1 : i32
          %add3A_119 = arith.addi %scan3A_58, %add3A_118 : i32
          %scan3A_120 = arith.constant 0 : i32
          %scan3A_121 = arith.constant 0 : i32
          %scan3A_122 = arith.constant 32 : i32
          %scan3A_123 = arith.addi %scan3A_121, %scan3A_122 : i32
          %scan3A_124 = arith.constant 1 : i32
          scf.for %scan3A_134 = %scan3A_121 to %scan3A_123 step %scan3A_124  : i32 {
            %mul3A_135 = arith.constant 32 : i32
            %mul3A_136 = arith.muli %arg0, %mul3A_135 : i32
            %add3A_137 = arith.addi %mul3A_136, %add3A_119 : i32
            %add3A_138 = arith.addi %mul3A_11, %scan3A_134 : i32
            %add3A_139 = arith.addi %mul3A_11, %scan3A_134 : i32
            %mul3A_140 = arith.constant 512 : i32
            %mul3A_141 = arith.muli %add3A_139, %mul3A_140 : i32
            %dma_start3A_142 = tpu.memref_slice %arg15[%mul3A_141] : memref<262160xf32, #tpu.memory_space<vmem_shared>> -> memref<512xf32, #tpu.memory_space<vmem_shared>>
            %dma_start3A_143 = arith.constant 0 : i32
            %dma_start3A_144 = tpu.memref_slice %arg2[%add3A_137, %add3A_138, %dma_start3A_143] : memref<64x512x512xf32, #tpu.memory_space<hbm>> -> memref<1x1x512xf32, #tpu.memory_space<hbm>>
            %dma_start3A_145 = tpu.memref_squeeze %dma_start3A_144 : memref<1x1x512xf32, #tpu.memory_space<hbm>> -> memref<512xf32, #tpu.memory_space<hbm>>
            tpu.enqueue_dma source(%dma_start3A_145 : memref<512xf32, #tpu.memory_space<hbm>>) target(%dma_start3A_142 : memref<512xf32, #tpu.memory_space<vmem_shared>>) target_semaphore(%arg20 : memref<!tpu.dma_semaphore, #tpu.memory_space<semaphore_mem>>)
          }
          %scan3A_125 = arith.constant 32 : i32
          %add3A_126 = arith.constant 1 : i32
          %add3A_127 = arith.addi %scan3A_58, %add3A_126 : i32
          %scan3A_128 = arith.constant 0 : i32
          %scan3A_129 = arith.constant 0 : i32
          %scan3A_130 = arith.constant 32 : i32
          %scan3A_131 = arith.addi %scan3A_129, %scan3A_130 : i32
          %scan3A_132 = arith.constant 1 : i32
          scf.for %scan3A_134 = %scan3A_129 to %scan3A_131 step %scan3A_132  : i32 {
            %mul3A_135 = arith.constant 32 : i32
            %mul3A_136 = arith.muli %arg0, %mul3A_135 : i32
            %add3A_137 = arith.addi %mul3A_136, %add3A_127 : i32
            %add3A_138 = arith.addi %mul3A_11, %scan3A_134 : i32
            %add3A_139 = arith.addi %mul3A_11, %scan3A_134 : i32
            %mul3A_140 = arith.constant 512 : i32
            %mul3A_141 = arith.muli %add3A_139, %mul3A_140 : i32
            %dma_wait3A_142 = tpu.memref_slice %arg15[%mul3A_141] : memref<262160xf32, #tpu.memory_space<vmem_shared>> -> memref<512xf32, #tpu.memory_space<vmem_shared>>
            %dma_wait3A_143 = arith.constant 0 : i32
            %dma_wait3A_144 = tpu.memref_slice %arg2[%add3A_137, %add3A_138, %dma_wait3A_143] : memref<64x512x512xf32, #tpu.memory_space<hbm>> -> memref<1x1x512xf32, #tpu.memory_space<hbm>>
            %dma_wait3A_145 = tpu.memref_squeeze %dma_wait3A_144 : memref<1x1x512xf32, #tpu.memory_space<hbm>> -> memref<512xf32, #tpu.memory_space<hbm>>
            tpu.wait_dma2 semaphore(%arg20 : memref<!tpu.dma_semaphore, #tpu.memory_space<semaphore_mem>>) src(%dma_wait3A_145 : memref<512xf32, #tpu.memory_space<hbm>>) dst(%dma_wait3A_142 : memref<512xf32, #tpu.memory_space<vmem_shared>>)
          }
          %scan3A_133 = arith.constant 32 : i32
        } else {
        }
        %dma_wait3A_110 = arith.constant 0 : i32
        %dma_wait3A_111 = tpu.memref_slice %arg16[%dma_wait3A_110] : memref<262160xf32, #tpu.memory_space<vmem_shared>> -> memref<262160xf32, #tpu.memory_space<vmem_shared>>
        tpu.wait_indirect_dma semaphore(%arg19 : memref<!tpu.dma_semaphore, #tpu.memory_space<semaphore_mem>>) src(%arg14 : memref<6272xf32, #tpu.memory_space<vmem>>) dst(%dma_wait3A_111 : memref<262160xf32, #tpu.memory_space<vmem_shared>>)
        %lt3A_112 = arith.constant 30 : i32
        %lt3A_113 = arith.cmpi slt, %scan3A_58, %lt3A_112 : i32
        %convert_element_type3A_114 = arith.extui %lt3A_113 : i1 to i32
        %cond3A_115 = arith.constant 0 : i32
        %cond3A_116 = arith.cmpi ne, %convert_element_type3A_114, %cond3A_115 : i32
        scf.if %cond3A_116 {
          %add3A_118 = arith.constant 2 : i32
          %add3A_119 = arith.addi %scan3A_58, %add3A_118 : i32
          %mul3A_120 = arith.constant 32 : i32
          %mul3A_121 = arith.muli %arg0, %mul3A_120 : i32
          %add3A_122 = arith.addi %mul3A_121, %add3A_119 : i32
          %mul3A_123 = arith.constant 262144 : i32
          %mul3A_124 = arith.muli %add3A_122, %mul3A_123 : i32
          %dma_start3A_125 = tpu.memref_slice %arg3[%mul3A_124] : memref<16777216xf32, #tpu.memory_space<hbm>> -> memref<262144xf32, #tpu.memory_space<hbm>>
          %dma_start3A_126 = arith.constant 0 : i32
          %dma_start3A_127 = tpu.memref_slice %dma_start3A_125[%dma_start3A_126] : memref<262144xf32, #tpu.memory_space<hbm>> -> memref<262144xf32, #tpu.memory_space<hbm>>
          tpu.enqueue_indirect_dma source(%dma_start3A_127 : memref<262144xf32, #tpu.memory_space<hbm>>) target(%arg14 : memref<6272xf32, #tpu.memory_space<vmem>>) offsets(%arg11 : memref<6272xi32, #tpu.memory_space<vmem>>) semaphore(%arg18 : memref<!tpu.dma_semaphore, #tpu.memory_space<semaphore_mem>>)
        } else {
        }
        %barrier3A_117 = arith.constant 0 : index
        tpu.barrier barrier_id(%barrier3A_117)
      } else {
      }
    }
    %scan3A_45 = arith.constant 32 : i32
    %scan3A_46 = arith.constant 0 : i32
    %scan3A_47 = arith.constant 0 : i32
    %scan3A_48 = arith.constant 32 : i32
    %scan3A_49 = arith.addi %scan3A_47, %scan3A_48 : i32
    %scan3A_50 = arith.constant 1 : i32
    scf.for %scan3A_58 = %scan3A_47 to %scan3A_49 step %scan3A_50  : i32 {
      %add3A_59 = arith.addi %mul3A_11, %scan3A_58 : i32
      %mul3A_60 = arith.constant 512 : i32
      %mul3A_61 = arith.muli %add3A_59, %mul3A_60 : i32
      %mul3A_62 = arith.constant 32 : i32
      %mul3A_63 = arith.muli %arg0, %mul3A_62 : i32
      %add3A_64 = arith.constant 31 : i32
      %add3A_65 = arith.addi %mul3A_63, %add3A_64 : i32
      %add3A_66 = arith.addi %mul3A_11, %scan3A_58 : i32
      %dma_start3A_67 = arith.constant 0 : i32
      %dma_start3A_68 = tpu.memref_slice %arg8[%add3A_65, %add3A_66, %dma_start3A_67] : memref<64x512x512xf32, #tpu.memory_space<hbm>> -> memref<1x1x512xf32, #tpu.memory_space<hbm>>
      %dma_start3A_69 = tpu.memref_squeeze %dma_start3A_68 : memref<1x1x512xf32, #tpu.memory_space<hbm>> -> memref<512xf32, #tpu.memory_space<hbm>>
      %dma_start3A_70 = tpu.memref_slice %arg16[%mul3A_61] : memref<262160xf32, #tpu.memory_space<vmem_shared>> -> memref<512xf32, #tpu.memory_space<vmem_shared>>
      tpu.enqueue_dma source(%dma_start3A_70 : memref<512xf32, #tpu.memory_space<vmem_shared>>) target(%dma_start3A_69 : memref<512xf32, #tpu.memory_space<hbm>>) target_semaphore(%arg21 : memref<!tpu.dma_semaphore, #tpu.memory_space<semaphore_mem>>)
    }
    %scan3A_51 = arith.constant 32 : i32
    %scan3A_52 = arith.constant 0 : i32
    %scan3A_53 = arith.constant 0 : i32
    %scan3A_54 = arith.constant 32 : i32
    %scan3A_55 = arith.addi %scan3A_53, %scan3A_54 : i32
    %scan3A_56 = arith.constant 1 : i32
    scf.for %scan3A_58 = %scan3A_53 to %scan3A_55 step %scan3A_56  : i32 {
      %add3A_59 = arith.addi %mul3A_11, %scan3A_58 : i32
      %mul3A_60 = arith.constant 512 : i32
      %mul3A_61 = arith.muli %add3A_59, %mul3A_60 : i32
      %mul3A_62 = arith.constant 32 : i32
      %mul3A_63 = arith.muli %arg0, %mul3A_62 : i32
      %add3A_64 = arith.constant 31 : i32
      %add3A_65 = arith.addi %mul3A_63, %add3A_64 : i32
      %add3A_66 = arith.addi %mul3A_11, %scan3A_58 : i32
      %dma_wait3A = arith.constant 0 : i32
      %dma_wait3A_67 = tpu.memref_slice %arg8[%add3A_65, %add3A_66, %dma_wait3A] : memref<64x512x512xf32, #tpu.memory_space<hbm>> -> memref<1x1x512xf32, #tpu.memory_space<hbm>>
      %dma_wait3A_68 = tpu.memref_squeeze %dma_wait3A_67 : memref<1x1x512xf32, #tpu.memory_space<hbm>> -> memref<512xf32, #tpu.memory_space<hbm>>
      %dma_wait3A_69 = tpu.memref_slice %arg16[%mul3A_61] : memref<262160xf32, #tpu.memory_space<vmem_shared>> -> memref<512xf32, #tpu.memory_space<vmem_shared>>
      tpu.wait_dma2 semaphore(%arg21 : memref<!tpu.dma_semaphore, #tpu.memory_space<semaphore_mem>>) src(%dma_wait3A_69 : memref<512xf32, #tpu.memory_space<vmem_shared>>) dst(%dma_wait3A_68 : memref<512xf32, #tpu.memory_space<hbm>>)
    }
    %scan3A_57 = arith.constant 32 : i32
    return
  }
}

</mosaic_0001>

<sc_bundles>
// kernel: kernel.3.cloned.1.call-start
scs
__scs_entry_jumppad:
0x0: {  	(pc) =	sbr.rel $0x88, $3  }
0x1: {  	(tag) =	ssettag $0x0;
	lr =	simm.s32 $0x1  }
0x2: {  	[smem:$0x3F9B] =	sst lr;
	_ =	strace $0xD0000000  }
0x3: {  	_ = 	snop  }
0x4: {  	_ = 	snop  }
0x5: {  	_ = 	snop  }
0x6: {  	_ = 	snop  }
0x7: {  	_ = 	snop  }
__scs_overlays_trampoline_lowered:
0x8: {  	[smem:$0x3FAA] =	sst s0  }
0x9: {  	[smem:$0x3FAB] =	sst s1  }
0xa: {  	[smem:$0x3FAC] =	sst s2  }
0xb: {  	[smem:$0x3FAD] =	sst s3  }
0xc: {  	[smem:$0x3FAE] =	sst s4  }
0xd: {  	[smem:$0x3FAF] =	sst s5  }
0xe: {  	[smem:$0x3FB0] =	sst s6  }
0xf: {  	[smem:$0x3FB1] =	sst s7  }
0x10: {  	[smem:$0x3FB2] =	sst s8  }
0x11: {  	[smem:$0x3FB3] =	sst s9;
	s0 =	simm.s32 @!p0 $0x0  }
0x12: {  	s1 =	sld [smem:$0x3F99];
	s0 =	simm.s32 @p0 $0x1  }
0x13: {  	[smem:$0x3FB4] =	sst s0;
	s0 =	simm.s32 @!p1 $0x0  }
0x14: {  	s2 =	sld [smem:$0x3F98];
	s0 =	simm.s32 @p1 $0x1  }
0x15: {  	[smem:$0x3FB5] =	sst s0;
	s0 =	simm.s32 @!p2 $0x0  }
0x16: {  	s3 =	sld [smem:$0x3FDB];
	s0 =	simm.s32 @p2 $0x1  }
0x17: {  	s4 =	simm.s32 $0x1BF5;
	[smem:$0x3FB7] =	sst s0  }
0x18: {  	s0 =	sld [smem:$0x3F9A];
	_ =	swait.ge [sflag:s4], $0x0  }
0x19: {  	s7 =	sld [smem:$0x3F9B]  }
0x1a: {  	s8 =	sadd.s32 $0xFFFFE003, lr  }
0x1b: {  	s9 =	sadd.s32 $0xFFFFFEF7, lr;
	s5 =	simm.s32 $0xFFFFFFFF;
	p2 =	slt.u32 s8, $0xFFFFF086  }
0x1c: {  	p1 =	slt.u32 s9, $0xF7A;
	s5 =	simm.s32 @!p2 $0x0  }
0x1d: {  	s5 =	simm.s32 @p1 $0x1;
	p0 =	seq.s32 s7, s2  }
0x1e: {  	s7 =	smul.u32 @!p0 $0xF7A, s2;
	p2 =	seq.s32 @!p0 s5, $0x0  }
0x1f: {  	s9 =	smul.u32 $0xF7A, s1;
	s8 =	simm.s32 @!p0 $0x1BF5;
	p2 =	por !p2, p0  }
0x20: {  	[sflag:s8] =	ssyncset.s32 @!p0 $0xFFFFF086;
	s6 =	sadd.s32 @!p0 s3, s7;
	s7 =	simm.s32 @!p0 $0x108  }
0x21: {  	s3 =	sadd.s32 s3, s9;
	s6 =	sadd.s32 @!p0 $0x88, s6;
	s7 =	simm.s32 @p2 $0x1082  }
0x22: {  	[simem:s7], [sflag:s8] =	dma.local @!p0 [hbm:s6], $0xF7A  }
0x23: {  	s9 =	sor.u32 $0xD0000000, s2;
	s6 =	simm.s32 $0x108;
	_ =	swait.ge @!p0 [sflag:s8], $0x0  }
0x24: {  	s3 =	sadd.s32 $0x88, s3;
	s6 =	simm.s32 @!p1 $0x1082;
	[sflag:s4] =	ssyncset.s32 $0xFFFFF086  }
0x25: {  	[simem:s6], [sflag:s4] =	dma.local [hbm:s3], $0xF7A  }
0x26: {  	[smem:$0x3F9B] =	sst s1;
	(tag) =	ssettag s2;
	_ =	strace s9  }
0x27: {  	s1 =	sld [smem:$0x3FAB]  }
0x28: {  	s2 =	sld [smem:$0x3FAC]  }
0x29: {  	s4 =	sld [smem:$0x3FAE]  }
0x2a: {  	p0 =	seq.s32 s5, $0x0;
	s5 =	sld [smem:$0x3FAF]  }
0x2b: {  	s6 =	sld [smem:$0x3FB0]  }
0x2c: {  	s7 =	sld [smem:$0x3FB1]  }
0x2d: {  	s3 =	simm.s32 $0x108;
	s8 =	sld [smem:$0x3FB2]  }
0x2e: {  	s3 =	simm.s32 @!p0 $0x1082;
	s9 =	sld [smem:$0x3FB3]  }
0x2f: {  	lr =	sadd.s32 s0, s3;
	s0 =	sld [smem:$0x3FAA]  }
0x30: {  	s3 =	sld [smem:$0x3FAD]  }
0x31: {  	[smem:$0x3FB6] =	sst s10  }
0x32: {  	s10 =	sld [smem:$0x3FB4];
	_ =	sdelay $0x3  }
0x33: {  	p0 =	seq.s32 s10, $0x1;
	s10 =	sld [smem:$0x3FB6];
	_ =	sdelay $0x3  }
0x34: {  	[smem:$0x3FB6] =	sst s10  }
0x35: {  	s10 =	sld [smem:$0x3FB5];
	_ =	sdelay $0x3  }
0x36: {  	p1 =	seq.s32 s10, $0x1;
	s10 =	sld [smem:$0x3FB6];
	_ =	sdelay $0x3  }
0x37: {  	[smem:$0x3FB6] =	sst s10  }
0x38: {  	s10 =	sld [smem:$0x3FB7]  }
0x39: {  	_ = 	snop;
	(pc) =	sbr.ind lr, $3  }
0x3a: {  	_ = 	snop  }
0x3b: {  	_ = 	snop  }
0x3c: {  	p2 =	seq.s32 s10, $0x1;
	s10 =	sld [smem:$0x3FB6]  }
0x3d: {  	_ =	shalt  }
0x3e: {  	_ =	shalt  }
0x3f: {  	_ =	shalt  }
0x40: {  	_ =	shalt  }
0x41: {  	_ =	shalt  }
0x42: {  	_ =	shalt  }
0x43: {  	_ =	shalt  }
0x44: {  	_ =	shalt  }
0x45: {  	_ =	shalt  }
0x46: {  	_ =	shalt  }
0x47: {  	_ =	shalt  }
0x48: {  	_ =	shalt  }
0x49: {  	_ =	shalt  }
0x4a: {  	_ =	shalt  }
0x4b: {  	_ =	shalt  }
0x4c: {  	_ =	shalt  }
0x4d: {  	_ =	shalt  }
0x4e: {  	_ =	shalt  }
0x4f: {  	_ =	shalt  }
0x50: {  	_ =	shalt  }
0x51: {  	_ =	shalt  }
0x52: {  	_ =	shalt  }
0x53: {  	_ =	shalt  }
0x54: {  	_ =	shalt  }
0x55: {  	_ =	shalt  }
0x56: {  	_ =	shalt  }
0x57: {  	_ =	shalt  }
0x58: {  	_ =	shalt  }
0x59: {  	_ =	shalt  }
0x5a: {  	_ =	shalt  }
0x5b: {  	_ =	shalt  }
0x5c: {  	_ =	shalt  }
0x5d: {  	_ =	shalt  }
0x5e: {  	_ =	shalt  }
0x5f: {  	_ =	shalt  }
0x60: {  	_ =	shalt  }
0x61: {  	_ =	shalt  }
0x62: {  	_ =	shalt  }
0x63: {  	_ =	shalt  }
0x64: {  	_ =	shalt  }
0x65: {  	_ =	shalt  }
0x66: {  	_ =	shalt  }
0x67: {  	_ =	shalt  }
0x68: {  	_ =	shalt  }
0x69: {  	_ =	shalt  }
0x6a: {  	_ =	shalt  }
0x6b: {  	_ =	shalt  }
0x6c: {  	_ =	shalt  }
0x6d: {  	_ =	shalt  }
0x6e: {  	_ =	shalt  }
0x6f: {  	_ =	shalt  }
0x70: {  	_ =	shalt  }
0x71: {  	_ =	shalt  }
0x72: {  	_ =	shalt  }
0x73: {  	_ =	shalt  }
0x74: {  	_ =	shalt  }
0x75: {  	_ =	shalt  }
0x76: {  	_ =	shalt  }
0x77: {  	_ =	shalt  }
0x78: {  	_ =	shalt  }
0x79: {  	_ =	shalt  }
0x7a: {  	_ =	shalt  }
0x7b: {  	_ =	shalt  }
0x7c: {  	_ =	shalt  }
0x7d: {  	_ =	shalt  }
0x7e: {  	_ =	shalt  }
0x7f: {  	_ =	shalt  }
0x80: {  	_ =	shalt  }
0x81: {  	_ =	shalt  }
0x82: {  	_ =	shalt  }
0x83: {  	_ =	shalt  }
0x84: {  	_ =	shalt  }
0x85: {  	_ =	shalt  }
0x86: {  	_ =	shalt  }
0x87: {  	_ =	shalt  }
.Lfunc_end0:
.L_simem_size_0:
called_computation.1_lowered:
.L_overlay_start_0:
0x88: {  	s2 =	sld [smem:$0x3FD9]  }
0x89: {  	s3 =	sld [smem:$0x3FFE];
	_ =	sdelay $0x1  }
0x8a: {  	s1 =	srdreg.scid  }
0x8b: {  	s0 =	sand.u32 $0x1, s1  }
0x8c: {  	s17 =	sshll.u32 s0, $0xA;
	s2 =	sadd.s32 s3, s2  }
0x8d: {  	s2 =	sadd.s32 s2, s17  }
0x8e: {  	[smem:$0x3FC2] =	sst s2  }
0x8f: {  	_ = 	snop  }
0x90: {  	s2 =	sld [smem:$0x3FC9]  }
0x91: {  	s18 =	sld [smem:$0x3FD0];
	(tm) =	ssettm $0x1  }
0x92: {  	s4 =	sld [smem:$0x3FFB];
	_ =	sdelay $0x3  }
0x93: {  	_ =	strace s4  }
0x94: {  	s4 =	sld [smem:$0x3FFC];
	_ =	sdelay $0x3  }
0x95: {  	_ =	strace s4  }
0x96: {  	s4 =	sld [smem:$0x3FFD];
	_ =	sdelay $0x3  }
0x97: {  	_ =	strace s4  }
0x98: {  	_ =	strace $0x8FFFFFFF  }
0x99: {  	s19 =	sld [smem:$0x3FDB];
	_ =	sdelay $0x1  }
0x9a: {  	s5 =	simm.s32 $_scs_section_size  }
0x9b: {  	s6 =	simm.s32 $_size__tile_overlayer_lowered;
	s7 =	simm.s32 $_tile_overlayer_lowered  }
0x9c: {  	s22 =	simm.s32 $0x1BFF;
	s21 =	sshll.u32 s7, $0x1;
	s4 =	sadd.s32 s5, s19  }
0x9d: {  	s8 =	simm.s32 $0x0;
	s20 =	sshll.u32 s6, $0x1;
	s6 =	sadd.s32 s21, s4  }
0x9e: {  	[timem:s8], [sflag:s22] =	dma.local [hbm:s6], s20  }
0x9f: {  	_ =	swait.ge [sflag:s22], s20  }
0xa0: {  	s5 =	ssub.s32 $0x0, s20;
	[sflag:s22] =	ssyncset.done $0x0  }
0xa1: {  	[sflag:s22] =	ssyncadd.s32 s5;
	_ =	sdelay $0x1  }
0xa2: {  	s23 =	simm.s32 $0x1B8B  }
0xa3: {  	_ =	swait.ge [sflag:s23], $0x1  }
0xa4: {  	[sflag:s23] =	ssyncset.done $0x0  }
0xa5: {  	s25 =	simm.s32 $0x1B8E;
	s24 =	sld [smem:$0x3FFE];
	[sflag:s23] =	ssyncadd.s32 $0xFFFFFFFF  }
0xa6: {  	s26 =	simm.s32 $execute0_lowered;
	[smem:$0x3FD2] =	sst s25  }
0xa7: {  	s6 =	sshll.u32 s26, $0x1;
	_ =	strace $0x80000049;
	[dreg:$0x1] =	wrdreg $0xFFFFFFFF  }
0xa8: {  	s28 =	simm.s32 $_size_execute0_lowered;
	s4 =	sadd.s32 s4, s6;
	[dreg:$0x0] =	wrdreg $0x0  }
0xa9: {  	s6 =	sshll.u32 s28, $0x1;
	[dreg:$0x2] =	wrdreg s4  }
0xaa: {  	[dreg:$0x3] =	wrdreg s6  }
0xab: {  	[dreg:$0x4] =	wrdreg $0xC0  }
0xac: {  	_ =	task [dreg:s8], $0x5FFFF  }
0xad: {  	[dreg:$0x1] =	wrdreg $0xFFFFFFFF  }
0xae: {  	[dreg:$0x0] =	wrdreg $0x60  }
0xaf: {  	[dreg:$0x2] =	wrdreg s2  }
0xb0: {  	[dreg:$0x3] =	wrdreg s24  }
0xb1: {  	[dreg:$0x4] =	wrdreg s18  }
0xb2: {  	[dreg:$0x5] =	wrdreg $0x93000  }
0xb3: {  	[dreg:$0x6] =	wrdreg $0xD3080  }
0xb4: {  	[dreg:$0x7] =	wrdreg $0x9  }
0xb5: {  	_ =	task.clear_ibuf [dreg:s8], $0x8FFFF;
	_ =	strace $0x90000049  }
0xb6: {  	s29 =	simm.s32 $0x9;
	_ =	strace $0x8000004B  }
0xb7: {  	_ =	swait.ge [sflag:s29], $0x1  }
0xb8: {  	[sflag:s29] =	ssyncadd.s32 $0xFFFFFFFF  }
0xb9: {  	_ =	strace $0x9000004B  }
0xba: {  	_ =	sfence  }
0xbb: {  	s30 =	sld [smem:$0x0];
	_ =	sdelay $0x2  }
0xbc: {  	s31 =	sshll.u32 s1, $0xD;
	s1 =	sshrl.u32 s1, $0x2  }
0xbd: {  	s3 =	sand.u32 $0x4000, s31;
	s1 =	sadd.s32 s1, s30  }
0xbe: {  	s0 =	sor.u32 s3, s0;
	s1 =	sshll.u32 s1, $0x11  }
0xbf: {  	s0 =	sor.u32 s1, s0  }
0xc0: {  	s0 =	sadd.s32 $0x8F2B, s0  }
0xc1: {  	[sflag:s0] =	ssyncadd.remote.s32 $0x1  }
0xc2: {  	_ =	sfence.sel $0xFFFF  }
0xc3: {  	[dreg:$0x0] =	wrdreg $0xFFFFFFFF;
	(pc) =	sbr.abs _section_cstart, $3  }
0xc4: {  	[dreg:$0x1] =	wrdreg $0xFFFFFFFF  }
0xc5: {  	_ =	task.clear_ibuf [dreg:s8], $0x2FFFF;
	_ =	strace $0x9FFFFFFF  }
0xc6: {  	(tm) =	ssettm $0x7FFFFFFF  }
0xc7: {  	_ =	shalt  }
tec
execute0_lowered:
.L_overlay_start_1:
0x0: {  	(tag) =	ssettag $0x1  }
0x1: {  	s6 =	rddreg [dreg:$0x0]  }
0x2: {  	s0 =	rddreg [dreg:$0x1]  }
0x3: {  	s2 =	rddreg [dreg:$0x2]  }
0x4: {  	s5 =	stileid.u32;
	s8 =	rddreg [dreg:$0x3]  }
0x5: {  	s9 =	rddreg [dreg:$0x4];
	s4 =	simm.s32 $0x0;
	s19 =	srdreg.scid  }
0x6: {  	s12 =	simm.s32 $0x6;
	s29 =	simm.s32 $0x1880;
	s31 =	simm.s32 $0x4980  }
0x7: {  	s11 =	simm.s32 $0x5;
	s14 =	simm.s32 $0x3;
	s1 =	sshrl.u32 s5, $0x3  }
0x8: {  	s3 =	sshll.u32 s5, $0x7;
	[smem:$0x7FF] =	sst s4;
	s1 =	smul.u32 $0xC400, s1  }
0x9: {  	s7 =	sadd.s32 $0x600, s0;
	s4 =	simm.s32 $0x0;
	s3 =	sand.u32 $0x380, s3  }
0xa: {  	_ =	strace $0x8000004A;
	s1 =	sor.u32 s3, s1;
	s3 =	sand.u32 $0x1, s19  }
0xb: {  	s1 =	sshrl.u32 s1, $0x3;
	s20 =	ssub.s32 $0x2, s3;
	s24 =	sshll.u32 s3, $0x14  }
0xc: {  	s3 =	sshll.u32 s3, $0x5;
	s0 =	sadd.s32 s1, s0;
	s21 =	sshrl.u32 s20, $0x1  }
0xd: {  	s25 =	sadd.s32 s7, s24;
	s15 =	sadd.s32 s6, s24;
	[dreg:$0xb] =	wrdreg s3  }
0xe: {  	s16 =	sadd.s32 $0x3FFF, s3;
	s26 =	sor.u32 $0x1, s3;
	[dreg:$0xa] =	wrdreg s25  }
0xf: {  	s17 =	sor.u32 $0x2, s3;
	s10 =	sadd.s32 $0x206A00, s0;
	[dreg:$0xd] =	wrdreg s26  }
0x10: {  	s28 =	sadd.s32 s24, s2;
	s22 =	sadd.s32 $0x209C00, s0;
	[dreg:$0x6] =	wrdreg s10  }
0x11: {  	s6 =	simm.s32 $0x1;
	s23 =	sadd.s32 $0x200600, s0;
	[dreg:$0x7] =	wrdreg s22  }
0x12: {  	s1 =	ssub.s32 s20, s21;
	s0 =	sadd.s32 $0x203800, s0;
	[dreg:$0x8] =	wrdreg s23  }
0x13: {  	s19 =	sadd.s32 $0xF8000, s28;
	s21 =	sshll.u32 s5, $0xE;
	[dreg:$0x9] =	wrdreg s0  }
0x14: {  	s0 =	sadd.s32 $0x8000, s25;
	s30 =	smax.u32 s1, $0x1;
	s22 =	sadd.s32 s21, s8  }
0x15: {  	s23 =	sshll.u32 s5, $0xB;
	s1 =	sadd.s32 s21, s9;
	s25 =	simm.s32 $0x80  }
0x16: {  	s10 =	simm.s32 $0x400;
	s8 =	simm.s32 $0x4;
	[dreg:$0xc] =	wrdreg s0  }
0x17: {  	s9 =	simm.s32 $0x2;
	[dreg:$0xe] =	wrdreg s30;
	s0 =	simm.s32 $0x10  }
.LBB2_1:
0x18: {  	[dreg:$0xf] =	wrdreg s4  }
0x19: {  	s3 =	simm.s32 $0x0;
	s28 =	rddreg [dreg:$0x6]  }
0x1a: {  	[tilespmem:s3], [sflag:$0x6] =	stream.strided.gather [hbm4b:s28+s25], $0x1880, s10, s25, $0x38;
	[tilespmem:$0x11310] =	vst v63  }
0x1b: {  	_ =	swait.ge [sflag:s12], $0x1880  }
0x1c: {  	[sflag:s12] =	ssyncset.done $0x0  }
0x1d: {  	s30 =	rddreg [dreg:$0x7];
	[sflag:s12] =	ssyncadd.s32 $0xFFFFE780  }
0x1e: {  	[tilespmem:s29], [sflag:$0x6] =	stream.strided.gather [hbm4b:s30+s25], $0x1880, s10, s25, $0x38;
	[tilespmem:$0x11310] =	vst v63  }
0x1f: {  	_ =	swait.ge [sflag:s12], $0x1880  }
0x20: {  	[sflag:s12] =	ssyncset.done $0x0  }
0x21: {  	s3 =	simm.s32 $0x0;
	[sflag:s12] =	ssyncadd.s32 $0xFFFFE780  }
0x22: {  	v0 =	vld [tilespmem:s3+$0x1880]  }
0x23: {  	s4 =	simm.s32 $0x40;
	v1 =	vld [tilespmem:s3+$0x0]  }
.LBB2_2:
0x24: {  	p0 =	sne.s32 s4, $0x61C0  }
.Ltmp0:
0x25: {  	_ = 	snop;
	(pc) =	sbr.rel @p0 .LBB2_2-.Ltmp0, $4  }
0x26: {  	_ = 	snop  }
0x27: {  	s5 =	sshra.s32 s4, $0x2;
	s4 =	sadd.s32 $0x40, s4;
	v2 =	vshll.u32 v0, $0xB  }
0x28: {  	v0 =	vld [tilespmem:s5+$0x1880];
	v2 =	vadd.s32 v1, v2  }
0x29: {  	v1 =	vld [tilespmem:s5+$0x0];
	[tilespmem:s3+$0x3100] =	vst v2;
	s3 =	smov.u32 s5  }
0x2a: {  	_ =	sdelay $0x2  }
0x2b: {  	v0 =	vshll.u32 v0, $0xB  }
0x2c: {  	v0 =	vadd.s32 v1, v0  }
0x2d: {  	s28 =	simm.s32 $0x0;
	s4 =	rddreg [dreg:$0x8];
	[tilespmem:s3+$0x3100] =	vst v0  }
0x2e: {  	[tilespmem:s28], [sflag:$0x6] =	stream.strided.gather [hbm4b:s4+s25], $0x1880, s10, s25, $0x38;
	[tilespmem:$0x11310] =	vst v63  }
0x2f: {  	_ =	swait.ge [sflag:s12], $0x1880  }
0x30: {  	[sflag:s12] =	ssyncset.done $0x0  }
0x31: {  	s30 =	rddreg [dreg:$0x9];
	[sflag:s12] =	ssyncadd.s32 $0xFFFFE780  }
0x32: {  	[tilespmem:s29], [sflag:$0x6] =	stream.strided.gather [hbm4b:s30+s25], $0x1880, s10, s25, $0x38;
	[tilespmem:$0x11310] =	vst v63  }
0x33: {  	_ =	swait.ge [sflag:s12], $0x1880  }
0x34: {  	[sflag:s12] =	ssyncset.done $0x0  }
0x35: {  	s3 =	simm.s32 $0x0;
	[sflag:s12] =	ssyncadd.s32 $0xFFFFE780  }
0x36: {  	v0 =	vld [tilespmem:s3+$0x0]  }
0x37: {  	s4 =	simm.s32 $0x40;
	v1 =	vld [tilespmem:s3+$0x1880]  }
.LBB2_4:
0x38: {  	p0 =	sne.s32 s4, $0x61C0  }
.Ltmp1:
0x39: {  	_ = 	snop;
	(pc) =	sbr.rel @p0 .LBB2_4-.Ltmp1, $4  }
0x3a: {  	_ = 	snop  }
0x3b: {  	s5 =	sshra.s32 s4, $0x2;
	s4 =	sadd.s32 $0x40, s4;
	v2 =	vshll.u32 v0, $0x9  }
0x3c: {  	v0 =	vld [tilespmem:s5+$0x0];
	v2 =	vadd.s32 v1, v2  }
0x3d: {  	v1 =	vld [tilespmem:s5+$0x1880];
	[tilespmem:s3+$0x4980] =	vst v2;
	s3 =	smov.u32 s5  }
0x3e: {  	_ =	sdelay $0x2  }
0x3f: {  	v0 =	vshll.u32 v0, $0x9  }
0x40: {  	v0 =	vadd.s32 v1, v0  }
0x41: {  	s18 =	rddreg [dreg:$0xa];
	s4 =	simm.s32 $0x3100;
	s5 =	simm.s32 $0x6200;
	[tilespmem:s3+$0x4980] =	vst v0  }
0x42: {  	[tilespmem:s5], [sflag:$0x1] =	stream.indirect.gather [hbm4b:s18+s29], $0x1, s4, s29, $0xb8;
	[tilespmem:$0x11310] =	vst v63  }
0x43: {  	s20 =	rddreg [dreg:$0xc];
	s24 =	simm.s32 $0x7A80;
	s26 =	simm.s32 $0x0  }
0x44: {  	[tilespmem:s24], [sflag:$0x2] =	stream.indirect.gather [hbm4b:s20+s29], $0x1, s4, s29, $0xb8;
	[tilespmem:$0x11310] =	vst v63  }
0x45: {  	s30 =	stileid.u32;
	s3 =	sand.u32 $0x70, s26;
	s20 =	sand.u32 $0x7E00, s23  }
0x46: {  	s12 =	sshll.u32 s30, $0x6;
	s3 =	sor.u32 s20, s3  }
0x47: {  	s28 =	sshrl.u32 s22, $0x3;
	s26 =	sor.u32 $0x1C04, s12;
	s3 =	sadd.s32 s3, s15  }
0x48: {  	[spmem:s28@s0], [sflag:s26] =	dma.strided [hbm:s3@s25], $0x40, s6, $0x10   }
0x49: {  	s5 =	smov.u32 s22;
	s4 =	smov.u32 s23;
	s3 =	simm.s32 $0x10  }
.LBB2_6:
0x4a: {  	p0 =	sne.s32 s3, $0x1F0  }
.Ltmp2:
0x4b: {  	s18 =	sand.u32 $0x70, s3;
	s4 =	sadd.s32 $0x40, s4;
	(pc) =	sbr.rel @p0 .LBB2_6-.Ltmp2, $4  }
0x4c: {  	s3 =	sadd.s32 $0x10, s3;
	s24 =	sand.u32 $0x7E00, s4  }
0x4d: {  	s5 =	sadd.s32 $0x200, s5;
	s18 =	sor.u32 s24, s18  }
0x4e: {  	s24 =	sshrl.u32 s5, $0x3;
	s18 =	sadd.s32 s18, s15  }
0x4f: {  	[spmem:s24@s0], [sflag:s26] =	dma.strided [hbm:s18@s25], $0x40, s6, $0x10   }
0x50: {  	_ =	swait.ge [sflag:s8], $0x40  }
0x51: {  	[sflag:s8] =	ssyncset.done $0x0  }
0x52: {  	[sflag:s8] =	ssyncadd.s32 $0xFFFFFFC0  }
0x53: {  	_ =	swait.ge [sflag:s8], $0x40  }
0x54: {  	[sflag:s8] =	ssyncset.done $0x0  }
0x55: {  	[sflag:s8] =	ssyncadd.s32 $0xFFFFFFC0  }
0x56: {  	_ =	swait.ge [sflag:s8], $0x40  }
0x57: {  	[sflag:s8] =	ssyncset.done $0x0  }
0x58: {  	[sflag:s8] =	ssyncadd.s32 $0xFFFFFFC0  }
0x59: {  	_ =	swait.ge [sflag:s8], $0x40  }
0x5a: {  	[sflag:s8] =	ssyncset.done $0x0  }
0x5b: {  	[sflag:s8] =	ssyncadd.s32 $0xFFFFFFC0  }
0x5c: {  	_ =	swait.ge [sflag:s8], $0x40  }
0x5d: {  	[sflag:s8] =	ssyncset.done $0x0  }
0x5e: {  	[sflag:s8] =	ssyncadd.s32 $0xFFFFFFC0  }
0x5f: {  	_ =	swait.ge [sflag:s8], $0x40  }
0x60: {  	[sflag:s8] =	ssyncset.done $0x0  }
0x61: {  	[sflag:s8] =	ssyncadd.s32 $0xFFFFFFC0  }
0x62: {  	_ =	swait.ge [sflag:s8], $0x40  }
0x63: {  	[sflag:s8] =	ssyncset.done $0x0  }
0x64: {  	[sflag:s8] =	ssyncadd.s32 $0xFFFFFFC0  }
0x65: {  	_ =	swait.ge [sflag:s8], $0x40  }
0x66: {  	[sflag:s8] =	ssyncset.done $0x0  }
0x67: {  	[sflag:s8] =	ssyncadd.s32 $0xFFFFFFC0  }
0x68: {  	_ =	swait.ge [sflag:s8], $0x40  }
0x69: {  	[sflag:s8] =	ssyncset.done $0x0  }
0x6a: {  	[sflag:s8] =	ssyncadd.s32 $0xFFFFFFC0  }
0x6b: {  	_ =	swait.ge [sflag:s8], $0x40  }
0x6c: {  	[sflag:s8] =	ssyncset.done $0x0  }
0x6d: {  	[sflag:s8] =	ssyncadd.s32 $0xFFFFFFC0  }
0x6e: {  	_ =	swait.ge [sflag:s8], $0x40  }
0x6f: {  	[sflag:s8] =	ssyncset.done $0x0  }
0x70: {  	[sflag:s8] =	ssyncadd.s32 $0xFFFFFFC0  }
0x71: {  	_ =	swait.ge [sflag:s8], $0x40  }
0x72: {  	[sflag:s8] =	ssyncset.done $0x0  }
0x73: {  	[sflag:s8] =	ssyncadd.s32 $0xFFFFFFC0  }
0x74: {  	_ =	swait.ge [sflag:s8], $0x40  }
0x75: {  	[sflag:s8] =	ssyncset.done $0x0  }
0x76: {  	[sflag:s8] =	ssyncadd.s32 $0xFFFFFFC0  }
0x77: {  	_ =	swait.ge [sflag:s8], $0x40  }
0x78: {  	[sflag:s8] =	ssyncset.done $0x0  }
0x79: {  	[sflag:s8] =	ssyncadd.s32 $0xFFFFFFC0  }
0x7a: {  	_ =	swait.ge [sflag:s8], $0x40  }
0x7b: {  	[sflag:s8] =	ssyncset.done $0x0  }
0x7c: {  	[sflag:s8] =	ssyncadd.s32 $0xFFFFFFC0  }
0x7d: {  	_ =	swait.ge [sflag:s8], $0x40  }
0x7e: {  	[sflag:s8] =	ssyncset.done $0x0  }
0x7f: {  	[sflag:s8] =	ssyncadd.s32 $0xFFFFFFC0  }
0x80: {  	_ =	swait.ge [sflag:s8], $0x40  }
0x81: {  	[sflag:s8] =	ssyncset.done $0x0  }
0x82: {  	[sflag:s8] =	ssyncadd.s32 $0xFFFFFFC0  }
0x83: {  	_ =	swait.ge [sflag:s8], $0x40  }
0x84: {  	[sflag:s8] =	ssyncset.done $0x0  }
0x85: {  	[sflag:s8] =	ssyncadd.s32 $0xFFFFFFC0  }
0x86: {  	_ =	swait.ge [sflag:s8], $0x40  }
0x87: {  	[sflag:s8] =	ssyncset.done $0x0  }
0x88: {  	[sflag:s8] =	ssyncadd.s32 $0xFFFFFFC0  }
0x89: {  	_ =	swait.ge [sflag:s8], $0x40  }
0x8a: {  	[sflag:s8] =	ssyncset.done $0x0  }
0x8b: {  	[sflag:s8] =	ssyncadd.s32 $0xFFFFFFC0  }
0x8c: {  	_ =	swait.ge [sflag:s8], $0x40  }
0x8d: {  	[sflag:s8] =	ssyncset.done $0x0  }
0x8e: {  	[sflag:s8] =	ssyncadd.s32 $0xFFFFFFC0  }
0x8f: {  	_ =	swait.ge [sflag:s8], $0x40  }
0x90: {  	[sflag:s8] =	ssyncset.done $0x0  }
0x91: {  	[sflag:s8] =	ssyncadd.s32 $0xFFFFFFC0  }
0x92: {  	_ =	swait.ge [sflag:s8], $0x40  }
0x93: {  	[sflag:s8] =	ssyncset.done $0x0  }
0x94: {  	[sflag:s8] =	ssyncadd.s32 $0xFFFFFFC0  }
0x95: {  	_ =	swait.ge [sflag:s8], $0x40  }
0x96: {  	[sflag:s8] =	ssyncset.done $0x0  }
0x97: {  	[sflag:s8] =	ssyncadd.s32 $0xFFFFFFC0  }
0x98: {  	_ =	swait.ge [sflag:s8], $0x40  }
0x99: {  	[sflag:s8] =	ssyncset.done $0x0  }
0x9a: {  	[sflag:s8] =	ssyncadd.s32 $0xFFFFFFC0  }
0x9b: {  	_ =	swait.ge [sflag:s8], $0x40  }
0x9c: {  	[sflag:s8] =	ssyncset.done $0x0  }
0x9d: {  	[sflag:s8] =	ssyncadd.s32 $0xFFFFFFC0  }
0x9e: {  	_ =	swait.ge [sflag:s8], $0x40  }
0x9f: {  	[sflag:s8] =	ssyncset.done $0x0  }
0xa0: {  	[sflag:s8] =	ssyncadd.s32 $0xFFFFFFC0  }
0xa1: {  	_ =	swait.ge [sflag:s8], $0x40  }
0xa2: {  	[sflag:s8] =	ssyncset.done $0x0  }
0xa3: {  	[sflag:s8] =	ssyncadd.s32 $0xFFFFFFC0  }
0xa4: {  	_ =	swait.ge [sflag:s8], $0x40  }
0xa5: {  	[sflag:s8] =	ssyncset.done $0x0  }
0xa6: {  	[sflag:s8] =	ssyncadd.s32 $0xFFFFFFC0  }
0xa7: {  	_ =	swait.ge [sflag:s8], $0x40  }
0xa8: {  	[sflag:s8] =	ssyncset.done $0x0  }
0xa9: {  	[sflag:s8] =	ssyncadd.s32 $0xFFFFFFC0  }
0xaa: {  	_ =	swait.ge [sflag:s8], $0x40  }
0xab: {  	[sflag:s8] =	ssyncset.done $0x0  }
0xac: {  	[sflag:s8] =	ssyncadd.s32 $0xFFFFFFC0  }
.Ltmp3:
0xad: {  	_ =	swait.ge [sflag:s8], $0x40;
	(pc) =	sbr.rel .LBB2_8-.Ltmp3, $4  }
0xae: {  	[sflag:s8] =	ssyncset.done $0x0  }
0xaf: {  	[sflag:s8] =	ssyncadd.s32 $0xFFFFFFC0  }
0xb0: {  	[bflag:$0x0] =	sbarrier.arrive $0xFFFF  }
0xb1: {  	s30 =	simm.s32 $0x0  }
.LBB2_22:
0xb2: {  	p0 =	sgt.u32 s30, $0x1D;
	_ =	swait.ge [sflag:s14], $0x1880  }
0xb3: {  	s3 =	sadd.s32 @!p0 s30, s17;
	[sflag:s14] =	ssyncset.done $0x0  }
0xb4: {  	s4 =	simm.s32 @!p0 $0x1880;
	s5 =	simm.s32 @!p0 $0x3100;
	s3 =	sshll.u32 @!p0 s3, $0xF  }
0xb5: {  	s10 =	simm.s32 @!p0 $0x7A80;
	[sflag:s14] =	ssyncadd.s32 $0xFFFFE780;
	s3 =	sadd.s32 @!p0 s7, s3  }
0xb6: {  	[tilespmem:s10], [sflag:$0x2] =	stream.indirect.gather @!p0 [hbm4b:s3+s4], $0x1, s5, s4, $0xb8;
	[tilespmem:$0x11310] =	vst v63  }
0xb7: {  	[bflag:$0x0] =	sbarrier.arrive $0xFFFF  }
.LBB2_23:
0xb8: {  	s30 =	sadd.s32 $0x1, s30  }
0xb9: {  	p0 =	sne.s32 s30, $0x20  }
.Ltmp4:
0xba: {  	_ = 	snop;
	(pc) =	sbr.rel @!p0 .LBB2_24-.Ltmp4, $1  }
0xbb: {  	_ =	sdelay $0x3  }
.LBB2_8:
0xbc: {  	s4 =	sand.u32 $0x1, s30  }
0xbd: {  	p0 =	seq.s32 s4, $0x1  }
.Ltmp5:
0xbe: {  	_ = 	snop;
	(pc) =	sbr.rel @p0 .LBB2_16-.Ltmp5, $1  }
0xbf: {  	_ =	sdelay $0x3  }
0xc0: {  	p0 =	seq.s32 s30, $0x0  }
.Ltmp6:
0xc1: {  	_ =	swait.ge [sflag:s6], $0x1880;
	(pc) =	sbr.rel @p0 .LBB2_13-.Ltmp6, $4  }
0xc2: {  	[sflag:s6] =	ssyncset.done $0x0  }
0xc3: {  	[sflag:s6] =	ssyncadd.s32 $0xFFFFE780  }
0xc4: {  	s5 =	simm.s32 $0x6200;
	s3 =	rddreg [dreg:$0x3]  }
0xc5: {  	[spmem:s3] =	stream.indirect.scatter.add.f32 [tilespmem:s5], [sflag:$0x3], $0x1, s31, s29, $0xb8;
	[tilespmem:$0x11310] =	vst v63  }
0xc6: {  	s3 =	sadd.s32 s30, s16  }
0xc7: {  	s24 =	simm.s32 $0x0;
	s5 =	sand.u32 $0x3F000, s21;
	s31 =	sshll.u32 s3, $0x12  }
0xc8: {  	s3 =	sand.u32 $0x380, s24;
	s5 =	sor.u32 s31, s5  }
0xc9: {  	s3 =	sor.u32 s3, s5  }
0xca: {  	s3 =	sshrl.u32 s3, $0x3  }
0xcb: {  	s18 =	sshrl.u32 s1, $0x3;
	s5 =	sor.u32 $0x1C05, s12;
	s3 =	sadd.s32 s2, s3  }
0xcc: {  	[hbm:s3@s25], [sflag:s5] =	dma.strided [spmem:s18@s0], $0x40, s6, $0x10   }
0xcd: {  	s24 =	smov.u32 s1;
	s18 =	simm.s32 $0x80;
	s3 =	sadd.s32 $0x200, s21  }
.LBB2_11:
0xce: {  	s13 =	sand.u32 $0x3F000, s3  }
0xcf: {  	p0 =	sne.s32 s18, $0xF80;
	s10 =	smov.u32 s18;
	s18 =	sadd.s32 $0x80, s18  }
.Ltmp7:
0xd0: {  	s13 =	sor.u32 s31, s13;
	s10 =	sand.u32 $0x380, s10;
	(pc) =	sbr.rel @p0 .LBB2_11-.Ltmp7, $4  }
0xd1: {  	s10 =	sor.u32 s10, s13  }
0xd2: {  	s3 =	sadd.s32 $0x200, s3;
	s24 =	sadd.s32 $0x200, s24;
	s10 =	sshrl.u32 s10, $0x3  }
0xd3: {  	s13 =	sshrl.u32 s24, $0x3;
	s10 =	sadd.s32 s2, s10  }
0xd4: {  	[hbm:s10@s25], [sflag:s5] =	dma.strided [spmem:s13@s0], $0x40, s6, $0x10   }
0xd5: {  	_ =	swait.ge [sflag:s11], $0x40  }
0xd6: {  	[sflag:s11] =	ssyncset.done $0x0  }
0xd7: {  	[sflag:s11] =	ssyncadd.s32 $0xFFFFFFC0  }
0xd8: {  	_ =	swait.ge [sflag:s11], $0x40  }
0xd9: {  	[sflag:s11] =	ssyncset.done $0x0  }
0xda: {  	[sflag:s11] =	ssyncadd.s32 $0xFFFFFFC0  }
0xdb: {  	_ =	swait.ge [sflag:s11], $0x40  }
0xdc: {  	[sflag:s11] =	ssyncset.done $0x0  }
0xdd: {  	[sflag:s11] =	ssyncadd.s32 $0xFFFFFFC0  }
0xde: {  	_ =	swait.ge [sflag:s11], $0x40  }
0xdf: {  	[sflag:s11] =	ssyncset.done $0x0  }
0xe0: {  	[sflag:s11] =	ssyncadd.s32 $0xFFFFFFC0  }
0xe1: {  	_ =	swait.ge [sflag:s11], $0x40  }
0xe2: {  	[sflag:s11] =	ssyncset.done $0x0  }
0xe3: {  	[sflag:s11] =	ssyncadd.s32 $0xFFFFFFC0  }
0xe4: {  	_ =	swait.ge [sflag:s11], $0x40  }
0xe5: {  	[sflag:s11] =	ssyncset.done $0x0  }
0xe6: {  	[sflag:s11] =	ssyncadd.s32 $0xFFFFFFC0  }
0xe7: {  	_ =	swait.ge [sflag:s11], $0x40  }
0xe8: {  	[sflag:s11] =	ssyncset.done $0x0  }
0xe9: {  	[sflag:s11] =	ssyncadd.s32 $0xFFFFFFC0  }
0xea: {  	_ =	swait.ge [sflag:s11], $0x40  }
0xeb: {  	[sflag:s11] =	ssyncset.done $0x0  }
0xec: {  	[sflag:s11] =	ssyncadd.s32 $0xFFFFFFC0  }
0xed: {  	_ =	swait.ge [sflag:s11], $0x40  }
0xee: {  	[sflag:s11] =	ssyncset.done $0x0  }
0xef: {  	[sflag:s11] =	ssyncadd.s32 $0xFFFFFFC0  }
0xf0: {  	_ =	swait.ge [sflag:s11], $0x40  }
0xf1: {  	[sflag:s11] =	ssyncset.done $0x0  }
0xf2: {  	[sflag:s11] =	ssyncadd.s32 $0xFFFFFFC0  }
0xf3: {  	_ =	swait.ge [sflag:s11], $0x40  }
0xf4: {  	[sflag:s11] =	ssyncset.done $0x0  }
0xf5: {  	[sflag:s11] =	ssyncadd.s32 $0xFFFFFFC0  }
0xf6: {  	_ =	swait.ge [sflag:s11], $0x40  }
0xf7: {  	[sflag:s11] =	ssyncset.done $0x0  }
0xf8: {  	[sflag:s11] =	ssyncadd.s32 $0xFFFFFFC0  }
0xf9: {  	_ =	swait.ge [sflag:s11], $0x40  }
0xfa: {  	[sflag:s11] =	ssyncset.done $0x0  }
0xfb: {  	[sflag:s11] =	ssyncadd.s32 $0xFFFFFFC0  }
0xfc: {  	_ =	swait.ge [sflag:s11], $0x40  }
0xfd: {  	[sflag:s11] =	ssyncset.done $0x0  }
0xfe: {  	[sflag:s11] =	ssyncadd.s32 $0xFFFFFFC0  }
0xff: {  	_ =	swait.ge [sflag:s11], $0x40  }
0x100: {  	[sflag:s11] =	ssyncset.done $0x0  }
0x101: {  	[sflag:s11] =	ssyncadd.s32 $0xFFFFFFC0  }
0x102: {  	_ =	swait.ge [sflag:s11], $0x40  }
0x103: {  	[sflag:s11] =	ssyncset.done $0x0  }
0x104: {  	[sflag:s11] =	ssyncadd.s32 $0xFFFFFFC0  }
0x105: {  	_ =	swait.ge [sflag:s11], $0x40  }
0x106: {  	[sflag:s11] =	ssyncset.done $0x0  }
0x107: {  	[sflag:s11] =	ssyncadd.s32 $0xFFFFFFC0  }
0x108: {  	_ =	swait.ge [sflag:s11], $0x40  }
0x109: {  	[sflag:s11] =	ssyncset.done $0x0  }
0x10a: {  	[sflag:s11] =	ssyncadd.s32 $0xFFFFFFC0  }
0x10b: {  	_ =	swait.ge [sflag:s11], $0x40  }
0x10c: {  	[sflag:s11] =	ssyncset.done $0x0  }
0x10d: {  	[sflag:s11] =	ssyncadd.s32 $0xFFFFFFC0  }
0x10e: {  	_ =	swait.ge [sflag:s11], $0x40  }
0x10f: {  	[sflag:s11] =	ssyncset.done $0x0  }
0x110: {  	[sflag:s11] =	ssyncadd.s32 $0xFFFFFFC0  }
0x111: {  	_ =	swait.ge [sflag:s11], $0x40  }
0x112: {  	[sflag:s11] =	ssyncset.done $0x0  }
0x113: {  	[sflag:s11] =	ssyncadd.s32 $0xFFFFFFC0  }
0x114: {  	_ =	swait.ge [sflag:s11], $0x40  }
0x115: {  	[sflag:s11] =	ssyncset.done $0x0  }
0x116: {  	[sflag:s11] =	ssyncadd.s32 $0xFFFFFFC0  }
0x117: {  	_ =	swait.ge [sflag:s11], $0x40  }
0x118: {  	[sflag:s11] =	ssyncset.done $0x0  }
0x119: {  	[sflag:s11] =	ssyncadd.s32 $0xFFFFFFC0  }
0x11a: {  	_ =	swait.ge [sflag:s11], $0x40  }
0x11b: {  	[sflag:s11] =	ssyncset.done $0x0  }
0x11c: {  	[sflag:s11] =	ssyncadd.s32 $0xFFFFFFC0  }
0x11d: {  	_ =	swait.ge [sflag:s11], $0x40  }
0x11e: {  	[sflag:s11] =	ssyncset.done $0x0  }
0x11f: {  	[sflag:s11] =	ssyncadd.s32 $0xFFFFFFC0  }
0x120: {  	_ =	swait.ge [sflag:s11], $0x40  }
0x121: {  	[sflag:s11] =	ssyncset.done $0x0  }
0x122: {  	[sflag:s11] =	ssyncadd.s32 $0xFFFFFFC0  }
0x123: {  	_ =	swait.ge [sflag:s11], $0x40  }
0x124: {  	[sflag:s11] =	ssyncset.done $0x0  }
0x125: {  	[sflag:s11] =	ssyncadd.s32 $0xFFFFFFC0  }
0x126: {  	_ =	swait.ge [sflag:s11], $0x40  }
0x127: {  	[sflag:s11] =	ssyncset.done $0x0  }
0x128: {  	[sflag:s11] =	ssyncadd.s32 $0xFFFFFFC0  }
0x129: {  	_ =	swait.ge [sflag:s11], $0x40  }
0x12a: {  	[sflag:s11] =	ssyncset.done $0x0  }
0x12b: {  	[sflag:s11] =	ssyncadd.s32 $0xFFFFFFC0  }
0x12c: {  	_ =	swait.ge [sflag:s11], $0x40  }
0x12d: {  	[sflag:s11] =	ssyncset.done $0x0  }
0x12e: {  	[sflag:s11] =	ssyncadd.s32 $0xFFFFFFC0  }
0x12f: {  	_ =	swait.ge [sflag:s11], $0x40  }
0x130: {  	[sflag:s11] =	ssyncset.done $0x0  }
0x131: {  	[sflag:s11] =	ssyncadd.s32 $0xFFFFFFC0  }
0x132: {  	_ =	swait.ge [sflag:s11], $0x40  }
0x133: {  	[sflag:s11] =	ssyncset.done $0x0  }
0x134: {  	[sflag:s11] =	ssyncadd.s32 $0xFFFFFFC0  }
.LBB2_13:
0x135: {  	s3 =	rddreg [dreg:$0xb]  }
0x136: {  	s3 =	sadd.s32 s30, s3  }
0x137: {  	s5 =	rddreg [dreg:$0x0];
	s3 =	sshll.u32 s3, $0xF  }
0x138: {  	s13 =	simm.s32 $0x0;
	s3 =	sadd.s32 s5, s3  }
0x139: {  	s18 =	sand.u32 $0x70, s13;
	s31 =	sadd.s32 $0x8000, s3  }
0x13a: {  	s3 =	sadd.s32 s18, s31  }
0x13b: {  	s24 =	sshrl.u32 s1, $0x3;
	s3 =	sadd.s32 s20, s3  }
0x13c: {  	[spmem:s24@s0], [sflag:s26] =	dma.strided [hbm:s3@s25], $0x40, s6, $0x10   }
0x13d: {  	s5 =	sadd.s32 $0x40, s23;
	s18 =	smov.u32 s1;
	s3 =	simm.s32 $0x10  }
.LBB2_14:
0x13e: {  	s10 =	sand.u32 $0x70, s3  }
0x13f: {  	p0 =	sne.s32 s3, $0x1F0;
	s3 =	sadd.s32 $0x10, s3;
	s13 =	sand.u32 $0x7E00, s5  }
.Ltmp8:
0x140: {  	s18 =	sadd.s32 $0x200, s18;
	s10 =	sadd.s32 s10, s31;
	(pc) =	sbr.rel @p0 .LBB2_14-.Ltmp8, $4  }
0x141: {  	s10 =	sadd.s32 s13, s10;
	s13 =	sshrl.u32 s18, $0x3  }
0x142: {  	[spmem:s13@s0], [sflag:s26] =	dma.strided [hbm:s10@s25], $0x40, s6, $0x10   }
0x143: {  	_ = 	snop  }
0x144: {  	s5 =	sadd.s32 $0x40, s5  }
0x145: {  	_ =	swait.ge [sflag:s8], $0x40  }
0x146: {  	[sflag:s8] =	ssyncset.done $0x0  }
0x147: {  	[sflag:s8] =	ssyncadd.s32 $0xFFFFFFC0  }
0x148: {  	_ =	swait.ge [sflag:s8], $0x40  }
0x149: {  	[sflag:s8] =	ssyncset.done $0x0  }
0x14a: {  	[sflag:s8] =	ssyncadd.s32 $0xFFFFFFC0  }
0x14b: {  	_ =	swait.ge [sflag:s8], $0x40  }
0x14c: {  	[sflag:s8] =	ssyncset.done $0x0  }
0x14d: {  	[sflag:s8] =	ssyncadd.s32 $0xFFFFFFC0  }
0x14e: {  	_ =	swait.ge [sflag:s8], $0x40  }
0x14f: {  	[sflag:s8] =	ssyncset.done $0x0  }
0x150: {  	[sflag:s8] =	ssyncadd.s32 $0xFFFFFFC0  }
0x151: {  	_ =	swait.ge [sflag:s8], $0x40  }
0x152: {  	[sflag:s8] =	ssyncset.done $0x0  }
0x153: {  	[sflag:s8] =	ssyncadd.s32 $0xFFFFFFC0  }
0x154: {  	_ =	swait.ge [sflag:s8], $0x40  }
0x155: {  	[sflag:s8] =	ssyncset.done $0x0  }
0x156: {  	[sflag:s8] =	ssyncadd.s32 $0xFFFFFFC0  }
0x157: {  	_ =	swait.ge [sflag:s8], $0x40  }
0x158: {  	[sflag:s8] =	ssyncset.done $0x0  }
0x159: {  	[sflag:s8] =	ssyncadd.s32 $0xFFFFFFC0  }
0x15a: {  	_ =	swait.ge [sflag:s8], $0x40  }
0x15b: {  	[sflag:s8] =	ssyncset.done $0x0  }
0x15c: {  	[sflag:s8] =	ssyncadd.s32 $0xFFFFFFC0  }
0x15d: {  	_ =	swait.ge [sflag:s8], $0x40  }
0x15e: {  	[sflag:s8] =	ssyncset.done $0x0  }
0x15f: {  	[sflag:s8] =	ssyncadd.s32 $0xFFFFFFC0  }
0x160: {  	_ =	swait.ge [sflag:s8], $0x40  }
0x161: {  	[sflag:s8] =	ssyncset.done $0x0  }
0x162: {  	[sflag:s8] =	ssyncadd.s32 $0xFFFFFFC0  }
0x163: {  	_ =	swait.ge [sflag:s8], $0x40  }
0x164: {  	[sflag:s8] =	ssyncset.done $0x0  }
0x165: {  	[sflag:s8] =	ssyncadd.s32 $0xFFFFFFC0  }
0x166: {  	_ =	swait.ge [sflag:s8], $0x40  }
0x167: {  	[sflag:s8] =	ssyncset.done $0x0  }
0x168: {  	[sflag:s8] =	ssyncadd.s32 $0xFFFFFFC0  }
0x169: {  	_ =	swait.ge [sflag:s8], $0x40  }
0x16a: {  	[sflag:s8] =	ssyncset.done $0x0  }
0x16b: {  	[sflag:s8] =	ssyncadd.s32 $0xFFFFFFC0  }
0x16c: {  	_ =	swait.ge [sflag:s8], $0x40  }
0x16d: {  	[sflag:s8] =	ssyncset.done $0x0  }
0x16e: {  	[sflag:s8] =	ssyncadd.s32 $0xFFFFFFC0  }
0x16f: {  	_ =	swait.ge [sflag:s8], $0x40  }
0x170: {  	[sflag:s8] =	ssyncset.done $0x0  }
0x171: {  	[sflag:s8] =	ssyncadd.s32 $0xFFFFFFC0  }
0x172: {  	_ =	swait.ge [sflag:s8], $0x40  }
0x173: {  	[sflag:s8] =	ssyncset.done $0x0  }
0x174: {  	[sflag:s8] =	ssyncadd.s32 $0xFFFFFFC0  }
0x175: {  	_ =	swait.ge [sflag:s8], $0x40  }
0x176: {  	[sflag:s8] =	ssyncset.done $0x0  }
0x177: {  	[sflag:s8] =	ssyncadd.s32 $0xFFFFFFC0  }
0x178: {  	_ =	swait.ge [sflag:s8], $0x40  }
0x179: {  	[sflag:s8] =	ssyncset.done $0x0  }
0x17a: {  	[sflag:s8] =	ssyncadd.s32 $0xFFFFFFC0  }
0x17b: {  	_ =	swait.ge [sflag:s8], $0x40  }
0x17c: {  	[sflag:s8] =	ssyncset.done $0x0  }
0x17d: {  	[sflag:s8] =	ssyncadd.s32 $0xFFFFFFC0  }
0x17e: {  	_ =	swait.ge [sflag:s8], $0x40  }
0x17f: {  	[sflag:s8] =	ssyncset.done $0x0  }
0x180: {  	[sflag:s8] =	ssyncadd.s32 $0xFFFFFFC0  }
0x181: {  	_ =	swait.ge [sflag:s8], $0x40  }
0x182: {  	[sflag:s8] =	ssyncset.done $0x0  }
0x183: {  	[sflag:s8] =	ssyncadd.s32 $0xFFFFFFC0  }
0x184: {  	_ =	swait.ge [sflag:s8], $0x40  }
0x185: {  	[sflag:s8] =	ssyncset.done $0x0  }
0x186: {  	[sflag:s8] =	ssyncadd.s32 $0xFFFFFFC0  }
0x187: {  	_ =	swait.ge [sflag:s8], $0x40  }
0x188: {  	[sflag:s8] =	ssyncset.done $0x0  }
0x189: {  	[sflag:s8] =	ssyncadd.s32 $0xFFFFFFC0  }
0x18a: {  	_ =	swait.ge [sflag:s8], $0x40  }
0x18b: {  	[sflag:s8] =	ssyncset.done $0x0  }
0x18c: {  	[sflag:s8] =	ssyncadd.s32 $0xFFFFFFC0  }
0x18d: {  	_ =	swait.ge [sflag:s8], $0x40  }
0x18e: {  	[sflag:s8] =	ssyncset.done $0x0  }
0x18f: {  	[sflag:s8] =	ssyncadd.s32 $0xFFFFFFC0  }
0x190: {  	_ =	swait.ge [sflag:s8], $0x40  }
0x191: {  	[sflag:s8] =	ssyncset.done $0x0  }
0x192: {  	[sflag:s8] =	ssyncadd.s32 $0xFFFFFFC0  }
0x193: {  	_ =	swait.ge [sflag:s8], $0x40  }
0x194: {  	[sflag:s8] =	ssyncset.done $0x0  }
0x195: {  	[sflag:s8] =	ssyncadd.s32 $0xFFFFFFC0  }
0x196: {  	_ =	swait.ge [sflag:s8], $0x40  }
0x197: {  	[sflag:s8] =	ssyncset.done $0x0  }
0x198: {  	[sflag:s8] =	ssyncadd.s32 $0xFFFFFFC0  }
0x199: {  	_ =	swait.ge [sflag:s8], $0x40  }
0x19a: {  	[sflag:s8] =	ssyncset.done $0x0  }
0x19b: {  	[sflag:s8] =	ssyncadd.s32 $0xFFFFFFC0  }
0x19c: {  	_ =	swait.ge [sflag:s8], $0x40  }
0x19d: {  	[sflag:s8] =	ssyncset.done $0x0  }
0x19e: {  	[sflag:s8] =	ssyncadd.s32 $0xFFFFFFC0  }
0x19f: {  	_ =	swait.ge [sflag:s8], $0x40  }
0x1a0: {  	[sflag:s8] =	ssyncset.done $0x0  }
0x1a1: {  	[sflag:s8] =	ssyncadd.s32 $0xFFFFFFC0  }
0x1a2: {  	_ =	swait.ge [sflag:s8], $0x40  }
0x1a3: {  	[sflag:s8] =	ssyncset.done $0x0  }
0x1a4: {  	p0 =	sgt.u32 s30, $0x1D;
	[sflag:s8] =	ssyncadd.s32 $0xFFFFFFC0  }
0x1a5: {  	s3 =	sadd.s32 @!p0 s30, s17;
	s5 =	simm.s32 @!p0 $0x1880;
	_ =	swait.ge [sflag:s14], $0x1880  }
0x1a6: {  	s10 =	simm.s32 @!p0 $0x3100;
	s3 =	sshll.u32 @!p0 s3, $0xF;
	[sflag:s14] =	ssyncset.done $0x0  }
0x1a7: {  	s13 =	simm.s32 @!p0 $0x6200;
	s3 =	sadd.s32 @!p0 s7, s3;
	[sflag:s14] =	ssyncadd.s32 $0xFFFFE780  }
0x1a8: {  	[tilespmem:s13], [sflag:$0x1] =	stream.indirect.gather @!p0 [hbm4b:s3+s5], $0x1, s10, s5, $0xb8;
	[tilespmem:$0x11310] =	vst v63  }
0x1a9: {  	p0 =	seq.s32 s4, $0x0  }
.Ltmp9:
0x1aa: {  	_ = 	snop;
	(pc) =	sbr.rel @p0 .LBB2_23-.Ltmp9, $3  }
0x1ab: {  	_ =	sdelay $0x1  }
0x1ac: {  	[bflag:$0x0] =	sbarrier.arrive $0xFFFF  }
0x1ad: {  	s31 =	simm.s32 $0x4980  }
.LBB2_16:
0x1ae: {  	_ =	swait.ge [sflag:s9], $0x1880  }
0x1af: {  	[sflag:s9] =	ssyncset.done $0x0  }
0x1b0: {  	[sflag:s9] =	ssyncadd.s32 $0xFFFFE780  }
0x1b1: {  	s4 =	simm.s32 $0x7A80;
	s18 =	sadd.s32 s30, s16;
	s3 =	rddreg [dreg:$0x4]  }
0x1b2: {  	[spmem:s3] =	stream.indirect.scatter.add.f32 [tilespmem:s4], [sflag:$0x3], $0x1, s31, s29, $0xb8;
	[tilespmem:$0x11310] =	vst v63  }
0x1b3: {  	s24 =	simm.s32 $0x0;
	s5 =	sand.u32 $0x3F000, s21;
	s4 =	sshll.u32 s18, $0x12  }
0x1b4: {  	s3 =	sand.u32 $0x380, s24;
	s5 =	sor.u32 s4, s5  }
0x1b5: {  	s3 =	sor.u32 s3, s5  }
0x1b6: {  	s3 =	sshrl.u32 s3, $0x3  }
0x1b7: {  	s5 =	sor.u32 $0x1C05, s12;
	s3 =	sadd.s32 s2, s3  }
0x1b8: {  	[hbm:s3@s25], [sflag:s5] =	dma.strided [spmem:s28@s0], $0x40, s6, $0x10   }
0x1b9: {  	s18 =	simm.s32 $0x80;
	s24 =	smov.u32 s22;
	s3 =	sadd.s32 $0x200, s21  }
.LBB2_17:
0x1ba: {  	s10 =	sand.u32 $0x3F000, s3  }
0x1bb: {  	p0 =	sne.s32 s18, $0xF80;
	s13 =	smov.u32 s18;
	s18 =	sadd.s32 $0x80, s18  }
.Ltmp10:
0x1bc: {  	s10 =	sor.u32 s4, s10;
	s13 =	sand.u32 $0x380, s13;
	(pc) =	sbr.rel @p0 .LBB2_17-.Ltmp10, $4  }
0x1bd: {  	s10 =	sor.u32 s13, s10  }
0x1be: {  	s3 =	sadd.s32 $0x200, s3;
	s24 =	sadd.s32 $0x200, s24;
	s10 =	sshrl.u32 s10, $0x3  }
0x1bf: {  	s13 =	sshrl.u32 s24, $0x3;
	s10 =	sadd.s32 s2, s10  }
0x1c0: {  	[hbm:s10@s25], [sflag:s5] =	dma.strided [spmem:s13@s0], $0x40, s6, $0x10   }
0x1c1: {  	_ =	swait.ge [sflag:s11], $0x40  }
0x1c2: {  	[sflag:s11] =	ssyncset.done $0x0  }
0x1c3: {  	[sflag:s11] =	ssyncadd.s32 $0xFFFFFFC0  }
0x1c4: {  	_ =	swait.ge [sflag:s11], $0x40  }
0x1c5: {  	[sflag:s11] =	ssyncset.done $0x0  }
0x1c6: {  	[sflag:s11] =	ssyncadd.s32 $0xFFFFFFC0  }
0x1c7: {  	_ =	swait.ge [sflag:s11], $0x40  }
0x1c8: {  	[sflag:s11] =	ssyncset.done $0x0  }
0x1c9: {  	[sflag:s11] =	ssyncadd.s32 $0xFFFFFFC0  }
0x1ca: {  	_ =	swait.ge [sflag:s11], $0x40  }
0x1cb: {  	[sflag:s11] =	ssyncset.done $0x0  }
0x1cc: {  	[sflag:s11] =	ssyncadd.s32 $0xFFFFFFC0  }
0x1cd: {  	_ =	swait.ge [sflag:s11], $0x40  }
0x1ce: {  	[sflag:s11] =	ssyncset.done $0x0  }
0x1cf: {  	[sflag:s11] =	ssyncadd.s32 $0xFFFFFFC0  }
0x1d0: {  	_ =	swait.ge [sflag:s11], $0x40  }
0x1d1: {  	[sflag:s11] =	ssyncset.done $0x0  }
0x1d2: {  	[sflag:s11] =	ssyncadd.s32 $0xFFFFFFC0  }
0x1d3: {  	_ =	swait.ge [sflag:s11], $0x40  }
0x1d4: {  	[sflag:s11] =	ssyncset.done $0x0  }
0x1d5: {  	[sflag:s11] =	ssyncadd.s32 $0xFFFFFFC0  }
0x1d6: {  	_ =	swait.ge [sflag:s11], $0x40  }
0x1d7: {  	[sflag:s11] =	ssyncset.done $0x0  }
0x1d8: {  	[sflag:s11] =	ssyncadd.s32 $0xFFFFFFC0  }
0x1d9: {  	_ =	swait.ge [sflag:s11], $0x40  }
0x1da: {  	[sflag:s11] =	ssyncset.done $0x0  }
0x1db: {  	[sflag:s11] =	ssyncadd.s32 $0xFFFFFFC0  }
0x1dc: {  	_ =	swait.ge [sflag:s11], $0x40  }
0x1dd: {  	[sflag:s11] =	ssyncset.done $0x0  }
0x1de: {  	[sflag:s11] =	ssyncadd.s32 $0xFFFFFFC0  }
0x1df: {  	_ =	swait.ge [sflag:s11], $0x40  }
0x1e0: {  	[sflag:s11] =	ssyncset.done $0x0  }
0x1e1: {  	[sflag:s11] =	ssyncadd.s32 $0xFFFFFFC0  }
0x1e2: {  	_ =	swait.ge [sflag:s11], $0x40  }
0x1e3: {  	[sflag:s11] =	ssyncset.done $0x0  }
0x1e4: {  	[sflag:s11] =	ssyncadd.s32 $0xFFFFFFC0  }
0x1e5: {  	_ =	swait.ge [sflag:s11], $0x40  }
0x1e6: {  	[sflag:s11] =	ssyncset.done $0x0  }
0x1e7: {  	[sflag:s11] =	ssyncadd.s32 $0xFFFFFFC0  }
0x1e8: {  	_ =	swait.ge [sflag:s11], $0x40  }
0x1e9: {  	[sflag:s11] =	ssyncset.done $0x0  }
0x1ea: {  	[sflag:s11] =	ssyncadd.s32 $0xFFFFFFC0  }
0x1eb: {  	_ =	swait.ge [sflag:s11], $0x40  }
0x1ec: {  	[sflag:s11] =	ssyncset.done $0x0  }
0x1ed: {  	[sflag:s11] =	ssyncadd.s32 $0xFFFFFFC0  }
0x1ee: {  	_ =	swait.ge [sflag:s11], $0x40  }
0x1ef: {  	[sflag:s11] =	ssyncset.done $0x0  }
0x1f0: {  	[sflag:s11] =	ssyncadd.s32 $0xFFFFFFC0  }
0x1f1: {  	_ =	swait.ge [sflag:s11], $0x40  }
0x1f2: {  	[sflag:s11] =	ssyncset.done $0x0  }
0x1f3: {  	[sflag:s11] =	ssyncadd.s32 $0xFFFFFFC0  }
0x1f4: {  	_ =	swait.ge [sflag:s11], $0x40  }
0x1f5: {  	[sflag:s11] =	ssyncset.done $0x0  }
0x1f6: {  	[sflag:s11] =	ssyncadd.s32 $0xFFFFFFC0  }
0x1f7: {  	_ =	swait.ge [sflag:s11], $0x40  }
0x1f8: {  	[sflag:s11] =	ssyncset.done $0x0  }
0x1f9: {  	[sflag:s11] =	ssyncadd.s32 $0xFFFFFFC0  }
0x1fa: {  	_ =	swait.ge [sflag:s11], $0x40  }
0x1fb: {  	[sflag:s11] =	ssyncset.done $0x0  }
0x1fc: {  	[sflag:s11] =	ssyncadd.s32 $0xFFFFFFC0  }
0x1fd: {  	_ =	swait.ge [sflag:s11], $0x40  }
0x1fe: {  	[sflag:s11] =	ssyncset.done $0x0  }
0x1ff: {  	[sflag:s11] =	ssyncadd.s32 $0xFFFFFFC0  }
0x200: {  	_ =	swait.ge [sflag:s11], $0x40  }
0x201: {  	[sflag:s11] =	ssyncset.done $0x0  }
0x202: {  	[sflag:s11] =	ssyncadd.s32 $0xFFFFFFC0  }
0x203: {  	_ =	swait.ge [sflag:s11], $0x40  }
0x204: {  	[sflag:s11] =	ssyncset.done $0x0  }
0x205: {  	[sflag:s11] =	ssyncadd.s32 $0xFFFFFFC0  }
0x206: {  	_ =	swait.ge [sflag:s11], $0x40  }
0x207: {  	[sflag:s11] =	ssyncset.done $0x0  }
0x208: {  	[sflag:s11] =	ssyncadd.s32 $0xFFFFFFC0  }
0x209: {  	_ =	swait.ge [sflag:s11], $0x40  }
0x20a: {  	[sflag:s11] =	ssyncset.done $0x0  }
0x20b: {  	[sflag:s11] =	ssyncadd.s32 $0xFFFFFFC0  }
0x20c: {  	_ =	swait.ge [sflag:s11], $0x40  }
0x20d: {  	[sflag:s11] =	ssyncset.done $0x0  }
0x20e: {  	[sflag:s11] =	ssyncadd.s32 $0xFFFFFFC0  }
0x20f: {  	_ =	swait.ge [sflag:s11], $0x40  }
0x210: {  	[sflag:s11] =	ssyncset.done $0x0  }
0x211: {  	[sflag:s11] =	ssyncadd.s32 $0xFFFFFFC0  }
0x212: {  	_ =	swait.ge [sflag:s11], $0x40  }
0x213: {  	[sflag:s11] =	ssyncset.done $0x0  }
0x214: {  	[sflag:s11] =	ssyncadd.s32 $0xFFFFFFC0  }
0x215: {  	_ =	swait.ge [sflag:s11], $0x40  }
0x216: {  	[sflag:s11] =	ssyncset.done $0x0  }
0x217: {  	[sflag:s11] =	ssyncadd.s32 $0xFFFFFFC0  }
0x218: {  	_ =	swait.ge [sflag:s11], $0x40  }
0x219: {  	[sflag:s11] =	ssyncset.done $0x0  }
0x21a: {  	[sflag:s11] =	ssyncadd.s32 $0xFFFFFFC0  }
0x21b: {  	p0 =	seq.s32 s30, $0x1F;
	_ =	swait.ge [sflag:s11], $0x40  }
.Ltmp11:
0x21c: {  	[sflag:s11] =	ssyncset.done $0x0;
	(pc) =	sbr.rel @p0 .LBB2_22-.Ltmp11, $4  }
0x21d: {  	[sflag:s11] =	ssyncadd.s32 $0xFFFFFFC0  }
0x21e: {  	_ =	swait.ge [sflag:s11], $0x40  }
0x21f: {  	[sflag:s11] =	ssyncset.done $0x0  }
0x220: {  	[sflag:s11] =	ssyncadd.s32 $0xFFFFFFC0  }
0x221: {  	s3 =	rddreg [dreg:$0xd]  }
0x222: {  	s3 =	sadd.s32 s30, s3  }
0x223: {  	s5 =	simm.s32 $0x0;
	s4 =	rddreg [dreg:$0x0];
	s3 =	sshll.u32 s3, $0xF  }
0x224: {  	s24 =	sand.u32 $0x70, s5;
	s4 =	sadd.s32 s4, s3  }
0x225: {  	s3 =	sadd.s32 s24, s4  }
0x226: {  	s3 =	sadd.s32 s20, s3  }
0x227: {  	[spmem:s28@s0], [sflag:s26] =	dma.strided [hbm:s3@s25], $0x40, s6, $0x10   }
0x228: {  	s18 =	smov.u32 s22;
	s5 =	sadd.s32 $0x40, s23;
	s3 =	simm.s32 $0x10  }
.LBB2_20:
0x229: {  	s10 =	sand.u32 $0x70, s3  }
0x22a: {  	p0 =	sne.s32 s3, $0x1F0;
	s3 =	sadd.s32 $0x10, s3;
	s13 =	sand.u32 $0x7E00, s5  }
.Ltmp12:
0x22b: {  	s18 =	sadd.s32 $0x200, s18;
	s10 =	sadd.s32 s10, s4;
	(pc) =	sbr.rel @p0 .LBB2_20-.Ltmp12, $4  }
0x22c: {  	s10 =	sadd.s32 s13, s10;
	s13 =	sshrl.u32 s18, $0x3  }
0x22d: {  	[spmem:s13@s0], [sflag:s26] =	dma.strided [hbm:s10@s25], $0x40, s6, $0x10   }
0x22e: {  	_ = 	snop  }
0x22f: {  	s5 =	sadd.s32 $0x40, s5  }
0x230: {  	_ =	swait.ge [sflag:s8], $0x40  }
0x231: {  	[sflag:s8] =	ssyncset.done $0x0  }
0x232: {  	[sflag:s8] =	ssyncadd.s32 $0xFFFFFFC0  }
0x233: {  	_ =	swait.ge [sflag:s8], $0x40  }
0x234: {  	[sflag:s8] =	ssyncset.done $0x0  }
0x235: {  	[sflag:s8] =	ssyncadd.s32 $0xFFFFFFC0  }
0x236: {  	_ =	swait.ge [sflag:s8], $0x40  }
0x237: {  	[sflag:s8] =	ssyncset.done $0x0  }
0x238: {  	[sflag:s8] =	ssyncadd.s32 $0xFFFFFFC0  }
0x239: {  	_ =	swait.ge [sflag:s8], $0x40  }
0x23a: {  	[sflag:s8] =	ssyncset.done $0x0  }
0x23b: {  	[sflag:s8] =	ssyncadd.s32 $0xFFFFFFC0  }
0x23c: {  	_ =	swait.ge [sflag:s8], $0x40  }
0x23d: {  	[sflag:s8] =	ssyncset.done $0x0  }
0x23e: {  	[sflag:s8] =	ssyncadd.s32 $0xFFFFFFC0  }
0x23f: {  	_ =	swait.ge [sflag:s8], $0x40  }
0x240: {  	[sflag:s8] =	ssyncset.done $0x0  }
0x241: {  	[sflag:s8] =	ssyncadd.s32 $0xFFFFFFC0  }
0x242: {  	_ =	swait.ge [sflag:s8], $0x40  }
0x243: {  	[sflag:s8] =	ssyncset.done $0x0  }
0x244: {  	[sflag:s8] =	ssyncadd.s32 $0xFFFFFFC0  }
0x245: {  	_ =	swait.ge [sflag:s8], $0x40  }
0x246: {  	[sflag:s8] =	ssyncset.done $0x0  }
0x247: {  	[sflag:s8] =	ssyncadd.s32 $0xFFFFFFC0  }
0x248: {  	_ =	swait.ge [sflag:s8], $0x40  }
0x249: {  	[sflag:s8] =	ssyncset.done $0x0  }
0x24a: {  	[sflag:s8] =	ssyncadd.s32 $0xFFFFFFC0  }
0x24b: {  	_ =	swait.ge [sflag:s8], $0x40  }
0x24c: {  	[sflag:s8] =	ssyncset.done $0x0  }
0x24d: {  	[sflag:s8] =	ssyncadd.s32 $0xFFFFFFC0  }
0x24e: {  	_ =	swait.ge [sflag:s8], $0x40  }
0x24f: {  	[sflag:s8] =	ssyncset.done $0x0  }
0x250: {  	[sflag:s8] =	ssyncadd.s32 $0xFFFFFFC0  }
0x251: {  	_ =	swait.ge [sflag:s8], $0x40  }
0x252: {  	[sflag:s8] =	ssyncset.done $0x0  }
0x253: {  	[sflag:s8] =	ssyncadd.s32 $0xFFFFFFC0  }
0x254: {  	_ =	swait.ge [sflag:s8], $0x40  }
0x255: {  	[sflag:s8] =	ssyncset.done $0x0  }
0x256: {  	[sflag:s8] =	ssyncadd.s32 $0xFFFFFFC0  }
0x257: {  	_ =	swait.ge [sflag:s8], $0x40  }
0x258: {  	[sflag:s8] =	ssyncset.done $0x0  }
0x259: {  	[sflag:s8] =	ssyncadd.s32 $0xFFFFFFC0  }
0x25a: {  	_ =	swait.ge [sflag:s8], $0x40  }
0x25b: {  	[sflag:s8] =	ssyncset.done $0x0  }
0x25c: {  	[sflag:s8] =	ssyncadd.s32 $0xFFFFFFC0  }
0x25d: {  	_ =	swait.ge [sflag:s8], $0x40  }
0x25e: {  	[sflag:s8] =	ssyncset.done $0x0  }
0x25f: {  	[sflag:s8] =	ssyncadd.s32 $0xFFFFFFC0  }
0x260: {  	_ =	swait.ge [sflag:s8], $0x40  }
0x261: {  	[sflag:s8] =	ssyncset.done $0x0  }
0x262: {  	[sflag:s8] =	ssyncadd.s32 $0xFFFFFFC0  }
0x263: {  	_ =	swait.ge [sflag:s8], $0x40  }
0x264: {  	[sflag:s8] =	ssyncset.done $0x0  }
0x265: {  	[sflag:s8] =	ssyncadd.s32 $0xFFFFFFC0  }
0x266: {  	_ =	swait.ge [sflag:s8], $0x40  }
0x267: {  	[sflag:s8] =	ssyncset.done $0x0  }
0x268: {  	[sflag:s8] =	ssyncadd.s32 $0xFFFFFFC0  }
0x269: {  	_ =	swait.ge [sflag:s8], $0x40  }
0x26a: {  	[sflag:s8] =	ssyncset.done $0x0  }
0x26b: {  	[sflag:s8] =	ssyncadd.s32 $0xFFFFFFC0  }
0x26c: {  	_ =	swait.ge [sflag:s8], $0x40  }
0x26d: {  	[sflag:s8] =	ssyncset.done $0x0  }
0x26e: {  	[sflag:s8] =	ssyncadd.s32 $0xFFFFFFC0  }
0x26f: {  	_ =	swait.ge [sflag:s8], $0x40  }
0x270: {  	[sflag:s8] =	ssyncset.done $0x0  }
0x271: {  	[sflag:s8] =	ssyncadd.s32 $0xFFFFFFC0  }
0x272: {  	_ =	swait.ge [sflag:s8], $0x40  }
0x273: {  	[sflag:s8] =	ssyncset.done $0x0  }
0x274: {  	[sflag:s8] =	ssyncadd.s32 $0xFFFFFFC0  }
0x275: {  	_ =	swait.ge [sflag:s8], $0x40  }
0x276: {  	[sflag:s8] =	ssyncset.done $0x0  }
0x277: {  	[sflag:s8] =	ssyncadd.s32 $0xFFFFFFC0  }
0x278: {  	_ =	swait.ge [sflag:s8], $0x40  }
0x279: {  	[sflag:s8] =	ssyncset.done $0x0  }
0x27a: {  	[sflag:s8] =	ssyncadd.s32 $0xFFFFFFC0  }
0x27b: {  	_ =	swait.ge [sflag:s8], $0x40  }
0x27c: {  	[sflag:s8] =	ssyncset.done $0x0  }
0x27d: {  	[sflag:s8] =	ssyncadd.s32 $0xFFFFFFC0  }
0x27e: {  	_ =	swait.ge [sflag:s8], $0x40  }
0x27f: {  	[sflag:s8] =	ssyncset.done $0x0  }
0x280: {  	[sflag:s8] =	ssyncadd.s32 $0xFFFFFFC0  }
0x281: {  	_ =	swait.ge [sflag:s8], $0x40  }
0x282: {  	[sflag:s8] =	ssyncset.done $0x0  }
0x283: {  	[sflag:s8] =	ssyncadd.s32 $0xFFFFFFC0  }
0x284: {  	_ =	swait.ge [sflag:s8], $0x40  }
0x285: {  	[sflag:s8] =	ssyncset.done $0x0  }
0x286: {  	[sflag:s8] =	ssyncadd.s32 $0xFFFFFFC0  }
0x287: {  	_ =	swait.ge [sflag:s8], $0x40  }
0x288: {  	[sflag:s8] =	ssyncset.done $0x0  }
0x289: {  	[sflag:s8] =	ssyncadd.s32 $0xFFFFFFC0  }
0x28a: {  	_ =	swait.ge [sflag:s8], $0x40  }
.Ltmp13:
0x28b: {  	[sflag:s8] =	ssyncset.done $0x0;
	(pc) =	sbr.rel .LBB2_22-.Ltmp13, $4  }
0x28c: {  	[sflag:s8] =	ssyncadd.s32 $0xFFFFFFC0  }
0x28d: {  	_ =	swait.ge [sflag:s8], $0x40  }
0x28e: {  	[sflag:s8] =	ssyncset.done $0x0  }
0x28f: {  	[sflag:s8] =	ssyncadd.s32 $0xFFFFFFC0  }
.LBB2_24:
0x290: {  	s3 =	simm.s32 $0x0  }
0x291: {  	s3 =	sand.u32 $0x70, s3  }
0x292: {  	s3 =	sadd.s32 s3, s19  }
0x293: {  	s4 =	sor.u32 $0x1C05, s12;
	s5 =	sshrl.u32 s1, $0x3;
	s3 =	sadd.s32 s20, s3  }
0x294: {  	[hbm:s3@s25], [sflag:s4] =	dma.strided [spmem:s5@s0], $0x40, s6, $0x10   }
0x295: {  	s12 =	smov.u32 s1;
	s3 =	simm.s32 $0x10;
	s5 =	sadd.s32 $0x40, s23  }
.LBB2_25:
0x296: {  	s10 =	sand.u32 $0x70, s3  }
0x297: {  	p0 =	sne.s32 s3, $0x1F0;
	s3 =	sadd.s32 $0x10, s3;
	s13 =	sand.u32 $0x7E00, s5  }
.Ltmp14:
0x298: {  	s12 =	sadd.s32 $0x200, s12;
	s10 =	sadd.s32 s10, s19;
	(pc) =	sbr.rel @p0 .LBB2_25-.Ltmp14, $4  }
0x299: {  	s10 =	sadd.s32 s13, s10;
	s13 =	sshrl.u32 s12, $0x3  }
0x29a: {  	[hbm:s10@s25], [sflag:s4] =	dma.strided [spmem:s13@s0], $0x40, s6, $0x10   }
0x29b: {  	_ = 	snop  }
0x29c: {  	s5 =	sadd.s32 $0x40, s5  }
0x29d: {  	_ =	swait.ge [sflag:s11], $0x40  }
0x29e: {  	[sflag:s11] =	ssyncset.done $0x0  }
0x29f: {  	[sflag:s11] =	ssyncadd.s32 $0xFFFFFFC0  }
0x2a0: {  	_ =	swait.ge [sflag:s11], $0x40  }
0x2a1: {  	[sflag:s11] =	ssyncset.done $0x0  }
0x2a2: {  	[sflag:s11] =	ssyncadd.s32 $0xFFFFFFC0  }
0x2a3: {  	_ =	swait.ge [sflag:s11], $0x40  }
0x2a4: {  	[sflag:s11] =	ssyncset.done $0x0  }
0x2a5: {  	[sflag:s11] =	ssyncadd.s32 $0xFFFFFFC0  }
0x2a6: {  	_ =	swait.ge [sflag:s11], $0x40  }
0x2a7: {  	[sflag:s11] =	ssyncset.done $0x0  }
0x2a8: {  	[sflag:s11] =	ssyncadd.s32 $0xFFFFFFC0  }
0x2a9: {  	_ =	swait.ge [sflag:s11], $0x40  }
0x2aa: {  	[sflag:s11] =	ssyncset.done $0x0  }
0x2ab: {  	[sflag:s11] =	ssyncadd.s32 $0xFFFFFFC0  }
0x2ac: {  	_ =	swait.ge [sflag:s11], $0x40  }
0x2ad: {  	[sflag:s11] =	ssyncset.done $0x0  }
0x2ae: {  	[sflag:s11] =	ssyncadd.s32 $0xFFFFFFC0  }
0x2af: {  	_ =	swait.ge [sflag:s11], $0x40  }
0x2b0: {  	[sflag:s11] =	ssyncset.done $0x0  }
0x2b1: {  	[sflag:s11] =	ssyncadd.s32 $0xFFFFFFC0  }
0x2b2: {  	_ =	swait.ge [sflag:s11], $0x40  }
0x2b3: {  	[sflag:s11] =	ssyncset.done $0x0  }
0x2b4: {  	[sflag:s11] =	ssyncadd.s32 $0xFFFFFFC0  }
0x2b5: {  	_ =	swait.ge [sflag:s11], $0x40  }
0x2b6: {  	[sflag:s11] =	ssyncset.done $0x0  }
0x2b7: {  	[sflag:s11] =	ssyncadd.s32 $0xFFFFFFC0  }
0x2b8: {  	_ =	swait.ge [sflag:s11], $0x40  }
0x2b9: {  	[sflag:s11] =	ssyncset.done $0x0  }
0x2ba: {  	[sflag:s11] =	ssyncadd.s32 $0xFFFFFFC0  }
0x2bb: {  	_ =	swait.ge [sflag:s11], $0x40  }
0x2bc: {  	[sflag:s11] =	ssyncset.done $0x0  }
0x2bd: {  	[sflag:s11] =	ssyncadd.s32 $0xFFFFFFC0  }
0x2be: {  	_ =	swait.ge [sflag:s11], $0x40  }
0x2bf: {  	[sflag:s11] =	ssyncset.done $0x0  }
0x2c0: {  	[sflag:s11] =	ssyncadd.s32 $0xFFFFFFC0  }
0x2c1: {  	_ =	swait.ge [sflag:s11], $0x40  }
0x2c2: {  	[sflag:s11] =	ssyncset.done $0x0  }
0x2c3: {  	[sflag:s11] =	ssyncadd.s32 $0xFFFFFFC0  }
0x2c4: {  	_ =	swait.ge [sflag:s11], $0x40  }
0x2c5: {  	[sflag:s11] =	ssyncset.done $0x0  }
0x2c6: {  	[sflag:s11] =	ssyncadd.s32 $0xFFFFFFC0  }
0x2c7: {  	_ =	swait.ge [sflag:s11], $0x40  }
0x2c8: {  	[sflag:s11] =	ssyncset.done $0x0  }
0x2c9: {  	[sflag:s11] =	ssyncadd.s32 $0xFFFFFFC0  }
0x2ca: {  	_ =	swait.ge [sflag:s11], $0x40  }
0x2cb: {  	[sflag:s11] =	ssyncset.done $0x0  }
0x2cc: {  	[sflag:s11] =	ssyncadd.s32 $0xFFFFFFC0  }
0x2cd: {  	_ =	swait.ge [sflag:s11], $0x40  }
0x2ce: {  	[sflag:s11] =	ssyncset.done $0x0  }
0x2cf: {  	[sflag:s11] =	ssyncadd.s32 $0xFFFFFFC0  }
0x2d0: {  	_ =	swait.ge [sflag:s11], $0x40  }
0x2d1: {  	[sflag:s11] =	ssyncset.done $0x0  }
0x2d2: {  	[sflag:s11] =	ssyncadd.s32 $0xFFFFFFC0  }
0x2d3: {  	_ =	swait.ge [sflag:s11], $0x40  }
0x2d4: {  	[sflag:s11] =	ssyncset.done $0x0  }
0x2d5: {  	[sflag:s11] =	ssyncadd.s32 $0xFFFFFFC0  }
0x2d6: {  	_ =	swait.ge [sflag:s11], $0x40  }
0x2d7: {  	[sflag:s11] =	ssyncset.done $0x0  }
0x2d8: {  	[sflag:s11] =	ssyncadd.s32 $0xFFFFFFC0  }
0x2d9: {  	_ =	swait.ge [sflag:s11], $0x40  }
0x2da: {  	[sflag:s11] =	ssyncset.done $0x0  }
0x2db: {  	[sflag:s11] =	ssyncadd.s32 $0xFFFFFFC0  }
0x2dc: {  	_ =	swait.ge [sflag:s11], $0x40  }
0x2dd: {  	[sflag:s11] =	ssyncset.done $0x0  }
0x2de: {  	[sflag:s11] =	ssyncadd.s32 $0xFFFFFFC0  }
0x2df: {  	_ =	swait.ge [sflag:s11], $0x40  }
0x2e0: {  	[sflag:s11] =	ssyncset.done $0x0  }
0x2e1: {  	[sflag:s11] =	ssyncadd.s32 $0xFFFFFFC0  }
0x2e2: {  	_ =	swait.ge [sflag:s11], $0x40  }
0x2e3: {  	[sflag:s11] =	ssyncset.done $0x0  }
0x2e4: {  	[sflag:s11] =	ssyncadd.s32 $0xFFFFFFC0  }
0x2e5: {  	_ =	swait.ge [sflag:s11], $0x40  }
0x2e6: {  	[sflag:s11] =	ssyncset.done $0x0  }
0x2e7: {  	[sflag:s11] =	ssyncadd.s32 $0xFFFFFFC0  }
0x2e8: {  	_ =	swait.ge [sflag:s11], $0x40  }
0x2e9: {  	[sflag:s11] =	ssyncset.done $0x0  }
0x2ea: {  	[sflag:s11] =	ssyncadd.s32 $0xFFFFFFC0  }
0x2eb: {  	_ =	swait.ge [sflag:s11], $0x40  }
0x2ec: {  	[sflag:s11] =	ssyncset.done $0x0  }
0x2ed: {  	[sflag:s11] =	ssyncadd.s32 $0xFFFFFFC0  }
0x2ee: {  	_ =	swait.ge [sflag:s11], $0x40  }
0x2ef: {  	[sflag:s11] =	ssyncset.done $0x0  }
0x2f0: {  	[sflag:s11] =	ssyncadd.s32 $0xFFFFFFC0  }
0x2f1: {  	_ =	swait.ge [sflag:s11], $0x40  }
0x2f2: {  	[sflag:s11] =	ssyncset.done $0x0  }
0x2f3: {  	[sflag:s11] =	ssyncadd.s32 $0xFFFFFFC0  }
0x2f4: {  	_ =	swait.ge [sflag:s11], $0x40  }
0x2f5: {  	[sflag:s11] =	ssyncset.done $0x0  }
0x2f6: {  	[sflag:s11] =	ssyncadd.s32 $0xFFFFFFC0  }
0x2f7: {  	_ =	swait.ge [sflag:s11], $0x40  }
0x2f8: {  	[sflag:s11] =	ssyncset.done $0x0  }
0x2f9: {  	[sflag:s11] =	ssyncadd.s32 $0xFFFFFFC0  }
0x2fa: {  	_ =	swait.ge [sflag:s11], $0x40  }
0x2fb: {  	s4 =	rddreg [dreg:$0xf]  }
0x2fc: {  	s3 =	rddreg [dreg:$0xe];
	s4 =	sadd.s32 $0x1, s4  }
0x2fd: {  	p0 =	sne.s32 s4, s3  }
.Ltmp15:
0x2fe: {  	_ = 	snop;
	(pc) =	sbr.rel @p0 .LBB2_1-.Ltmp15, $3  }
0x2ff: {  	_ =	sdelay $0x1  }
0x300: {  	[sflag:s11] =	ssyncset.done $0x0  }
0x301: {  	s10 =	simm.s32 $0x400;
	s12 =	simm.s32 $0x6;
	[sflag:s11] =	ssyncadd.s32 $0xFFFFFFC0  }
0x302: {  	_ =	sfence.sel $0x180000  }
0x303: {  	[bflag:$0x0] =	sbarrier.arrive $0xFFFF  }
0x304: {  	_ =	strace $0x9000004A  }
0x305: {  	s0 =	stileid.u32;
	[bflag:$0x2] =	sbarrier.arrive $0xFFFF  }
0x306: {  	p0 =	sne.s32 s0, $0x0;
	s0 =	rddreg [dreg:$0x5]  }
0x307: {  	s0 =	sadd.s32 @!p0 $0x100000, s0  }
0x308: {  	[sflag:s0] =	ssyncadd.tile.s32 @!p0 $0x1;
	_ =	shalt  }
.Lfunc_end2:
_tile_overlayer_lowered:
.L_overlay_start_2:
0x309: {  	(tag) =	ssettag $0x2  }
0x30a: {  	s0 =	rddreg [dreg:$0x0];
	s2 =	stileid.u32  }
0x30b: {  	s1 =	rddreg [dreg:$0x1];
	p0 =	sne.s32 s2, $0x0  }
0x30c: {  	s3 =	rddreg [dreg:$0x2];
	[bflag:$0x3] =	sbarrier.arrive $0xFFFF;
	s2 =	simm.s32 @!p0 $0x1C06  }
0x30d: {  	[timem:s3], [sflag:s2] =	dma.local @!p0 [hbm:s0], s1  }
0x30e: {  	s0 =	simm.s32 @!p0 $0x6  }
0x30f: {  	_ =	swait.ge @!p0 [sflag:s0], s1  }
0x310: {  	s1 =	ssub.s32 @!p0 $0x0, s1;
	[sflag:s0] =	ssyncset.done @!p0 $0x0  }
0x311: {  	[sflag:s0] =	ssyncadd.s32 @!p0 s1  }
0x312: {  	[bflag:$0x3] =	sbarrier.arrive $0xFFFF  }
0x313: {  	_ =	shalt  }

// kernel: sparse-core-data-format-call.cloned.1.call-start
scs
called_computation_lowered:
.L_overlay_start_0:
0x0: {  	s2 =	sld [smem:$0x3FD9]  }
0x1: {  	s3 =	sld [smem:$0x3FFE];
	_ =	sdelay $0x1  }
0x2: {  	s1 =	srdreg.scid  }
0x3: {  	s0 =	sand.u32 $0x1, s1  }
0x4: {  	s18 =	sshll.u32 s0, $0xA;
	s2 =	sadd.s32 s3, s2  }
0x5: {  	s2 =	sadd.s32 s2, s18  }
0x6: {  	[smem:$0x3FC2] =	sst s2  }
0x7: {  	_ = 	snop  }
0x8: {  	s2 =	sld [smem:$0x3FC8];
	(tm) =	ssettm $0x1  }
0x9: {  	s19 =	sld [smem:$0x3FFB];
	_ =	sdelay $0x3  }
0xa: {  	_ =	strace s19  }
0xb: {  	s3 =	sld [smem:$0x3FFC];
	_ =	sdelay $0x3  }
0xc: {  	_ =	strace s3  }
0xd: {  	s3 =	sld [smem:$0x3FFD];
	_ =	sdelay $0x3  }
0xe: {  	_ =	strace s3  }
0xf: {  	_ =	strace $0x8FFFFFFF  }
0x10: {  	s20 =	sld [smem:$0x3FDB];
	_ =	sdelay $0x1  }
0x11: {  	s4 =	simm.s32 $_scs_section_size  }
0x12: {  	s5 =	simm.s32 $_size__tile_overlayer_lowered;
	s6 =	simm.s32 $_tile_overlayer_lowered  }
0x13: {  	s23 =	simm.s32 $0x1BFF;
	s22 =	sshll.u32 s6, $0x1;
	s3 =	sadd.s32 s4, s20  }
0x14: {  	s7 =	simm.s32 $0x0;
	s21 =	sshll.u32 s5, $0x1;
	s5 =	sadd.s32 s22, s3  }
0x15: {  	[timem:s7], [sflag:s23] =	dma.local [hbm:s5], s21  }
0x16: {  	_ =	swait.ge [sflag:s23], s21  }
0x17: {  	s4 =	ssub.s32 $0x0, s21;
	[sflag:s23] =	ssyncset.done $0x0  }
0x18: {  	[sflag:s23] =	ssyncadd.s32 s4;
	_ =	sdelay $0x1  }
0x19: {  	s24 =	simm.s32 $0x1B8B  }
0x1a: {  	_ =	swait.ge [sflag:s24], $0x1  }
0x1b: {  	[sflag:s24] =	ssyncset.done $0x0  }
0x1c: {  	s26 =	simm.s32 $0x1B8E;
	s25 =	sld [smem:$0x3FFE];
	[sflag:s24] =	ssyncadd.s32 $0xFFFFFFFF  }
0x1d: {  	s27 =	simm.s32 $execute0_lowered;
	[smem:$0x3FD2] =	sst s26  }
0x1e: {  	s5 =	sshll.u32 s27, $0x1;
	_ =	strace $0x80000046;
	[dreg:$0x1] =	wrdreg $0xFFFFFFFF  }
0x1f: {  	s28 =	simm.s32 $_size_execute0_lowered;
	s3 =	sadd.s32 s3, s5;
	[dreg:$0x0] =	wrdreg $0x0  }
0x20: {  	s5 =	sshll.u32 s28, $0x1;
	[dreg:$0x2] =	wrdreg s3  }
0x21: {  	[dreg:$0x3] =	wrdreg s5  }
0x22: {  	[dreg:$0x4] =	wrdreg $0xC0  }
0x23: {  	_ =	task [dreg:s7], $0x5FFFF  }
0x24: {  	[dreg:$0x1] =	wrdreg $0xFFFFFFFF  }
0x25: {  	[dreg:$0x0] =	wrdreg $0x60  }
0x26: {  	[dreg:$0x2] =	wrdreg s2  }
0x27: {  	[dreg:$0x3] =	wrdreg s25  }
0x28: {  	[dreg:$0x4] =	wrdreg $0x9  }
0x29: {  	_ =	task.clear_ibuf [dreg:s7], $0x5FFFF;
	_ =	strace $0x90000046  }
0x2a: {  	s29 =	simm.s32 $0x9;
	_ =	strace $0x80000048  }
0x2b: {  	_ =	swait.ge [sflag:s29], $0x1  }
0x2c: {  	[sflag:s29] =	ssyncadd.s32 $0xFFFFFFFF  }
0x2d: {  	_ =	strace $0x90000048  }
0x2e: {  	_ =	sfence  }
0x2f: {  	s30 =	sld [smem:$0x0];
	_ =	sdelay $0x2  }
0x30: {  	s31 =	sshll.u32 s1, $0xD;
	s1 =	sshrl.u32 s1, $0x2  }
0x31: {  	s3 =	sand.u32 $0x4000, s31;
	s1 =	sadd.s32 s1, s30  }
0x32: {  	s0 =	sor.u32 s3, s0;
	s1 =	sshll.u32 s1, $0x11  }
0x33: {  	s0 =	sor.u32 s1, s0  }
0x34: {  	s0 =	sadd.s32 $0x8F2B, s0  }
0x35: {  	[sflag:s0] =	ssyncadd.remote.s32 $0x1  }
0x36: {  	_ =	sfence.sel $0xFFFF  }
0x37: {  	[dreg:$0x0] =	wrdreg $0xFFFFFFFF;
	(pc) =	sbr.abs _section_cstart, $3  }
0x38: {  	[dreg:$0x1] =	wrdreg $0xFFFFFFFF  }
0x39: {  	_ =	task.clear_ibuf [dreg:s7], $0x2FFFF;
	_ =	strace $0x9FFFFFFF  }
0x3a: {  	(tm) =	ssettm $0x7FFFFFFF  }
0x3b: {  	_ =	shalt  }
tec
execute0_lowered:
.L_overlay_start_1:
0x0: {  	(tag) =	ssettag $0x1  }
0x1: {  	s2 =	rddreg [dreg:$0x0]  }
0x2: {  	s1 =	rddreg [dreg:$0x1]  }
0x3: {  	s0 =	rddreg [dreg:$0x2];
	_ =	strace $0x80000047;
	s4 =	srdreg.scid  }
.Ltmp0:
0x4: {  	s6 =	simm.s32 $0x2;
	p0 =	por $0x0, $0x0;
	(pc) =	sbr.rel .LBB1_1-.Ltmp0, $4  }
0x5: {  	s9 =	simm.s32 $0x0;
	s3 =	sadd.s32 $0x600, s1;
	s5 =	sshll.u32 s4, $0x4  }
0x6: {  	s1 =	stileid.u32;
	s4 =	simm.s32 $0x1;
	s5 =	sand.u32 $0x10, s5  }
0x7: {  	s7 =	simm.s32 $0x0;
	[sflag:s4] =	ssyncpa.u1 $0x0;
	s5 =	sor.u32 s1, s5  }
0x8: {  	[sflag:s6] =	ssyncpa.u1 $0x0;
	s6 =	simm.s32 $0x0;
	s8 =	smov.u32 s5  }
.LBB1_7:
0x9: {  	s11 =	sadd.s32 $0x20, s8  }
0xa: {  	p1 =	slt.u32 s7, $0x2;
	s7 =	sadd.s32 $0x1, s7;
	p2 =	sgt.s32 s11, $0x3FF  }
0xb: {  	s11 =	smov.u32 @p2 s5;
	p2 =	sne.s32 s7, $0x22  }
.Ltmp1:
0xc: {  	_ = 	snop;
	(pc) =	sbr.rel @!p2 .LBB1_8-.Ltmp1, $4  }
0xd: {  	s10 =	simm.s32 @!p1 $0x2  }
0xe: {  	_ =	swait.ge @!p1 [sflag:s10], $0x4000  }
0xf: {  	s9 =	smov.u32 s8;
	[sflag:s10] =	ssyncset.done @!p1 $0x0  }
0x10: {  	p0 =	por !p0, !p0;
	s8 =	smov.u32 s11;
	[sflag:s10] =	ssyncadd.s32 @!p1 $0xFFFFC000  }
.LBB1_1:
0x11: {  	p1 =	sgt.u32 s7, $0x1F  }
0x12: {  	s10 =	sxor.u32 @!p1 $0xFFFFFFFF, s7  }
0x13: {  	s11 =	sshll.u32 @!p1 s8, $0xB;
	s10 =	sshll.u32 @!p1 s10, $0xE  }
0x14: {  	s12 =	simm.s32 @!p1 $0x0;
	s11 =	sadd.s32 @!p1 s2, s11;
	s10 =	sand.u32 @!p1 $0x4000, s10  }
0x15: {  	[tilespmem:s10], [sflag:$0x1] =	stream.linear.gather @!p1 [hbm4b:s11+s12], $0x4000, $0x38;
	[tilespmem:$0x10000] =	vst v63  }
0x16: {  	p1 =	seq.s32 s7, $0x0  }
0x17: {  	p2 =	seq.s32 @!p1 s7, $0x21  }
0x18: {  	p1 =	por p1, p2  }
.Ltmp2:
0x19: {  	_ = 	snop;
	(pc) =	sbr.rel @p1 .LBB1_7-.Ltmp2, $1  }
0x1a: {  	_ =	sdelay $0x3  }
0x1b: {  	s10 =	simm.s32 $0x1;
	_ =	swait.ge [sflag:s4], $0x4000;
	s12 =	sshll.u32 s7, $0xE  }
0x1c: {  	s13 =	simm.s32 $0x0;
	s10 =	simm.s32 @!p0 $0x0;
	[sflag:s4] =	ssyncset.done $0x0  }
0x1d: {  	s12 =	sand.u32 $0x4000, s12;
	s11 =	sshll.u32 s10, $0xE;
	[sflag:s4] =	ssyncadd.s32 $0xFFFFC000  }
0x1e: {  	s12 =	sor.u32 $0x8000, s12;
	s10 =	sor.u32 $0x8040, s11;
	s11 =	sor.u32 $0x40, s11  }
.LBB1_3:
0x1f: {  	v0 =	vmov s11;
	_ =	sdelay $0x3  }
0x20: {  	s15 =	simm.s32 $0x0  }
0x21: {  	v6 =	vld.idx.msk [tilespmem:v0+s15+$0x30 ss:$0x1], $0xffff  }
0x22: {  	v7 =	vld.idx.msk [tilespmem:v0+s15+$0xFFFFFFC0 ss:$0x1], $0xffff  }
0x23: {  	v5 =	vld.idx.msk [tilespmem:v0+s15+$0xFFFFFFD0 ss:$0x1], $0xffff  }
0x24: {  	v4 =	vld.idx.msk [tilespmem:v0+s15+$0xFFFFFFE0 ss:$0x1], $0xffff  }
0x25: {  	v3 =	vld.idx.msk [tilespmem:v0+s15+$0xFFFFFFF0 ss:$0x1], $0xffff  }
0x26: {  	v1 =	vld.idx.msk [tilespmem:v0+s15+$0x0 ss:$0x1], $0xffff  }
0x27: {  	v2 =	vld.idx.msk [tilespmem:v0+s15+$0x10 ss:$0x1], $0xffff;
	[tilespmem:s10+$0x30] =	vst v6  }
0x28: {  	s14 =	simm.s32 $0x80;
	s16 =	simm.s32 $0x400;
	[tilespmem:s10+$0xFFFFFFC0] =	vst v7;
	v6 =	vld.idx.msk [tilespmem:v0+s15+$0x20 ss:$0x1], $0xffff;
	s15 =	smov.u32 s10  }
.LBB1_4:
0x29: {  	p1 =	sne.s32 s16, $0xE00;
	v7 =	vld.idx.msk [tilespmem:v0+s14+$0x30 ss:$0x1], $0xffff;
	[tilespmem:s15+$0xFFFFFFD0] =	vst v5  }
0x2a: {  	v8 =	vld.idx.msk [tilespmem:v0+s14+$0xFFFFFFC0 ss:$0x1], $0xffff;
	[tilespmem:s15+$0xFFFFFFE0] =	vst v4  }
0x2b: {  	v5 =	vld.idx.msk [tilespmem:v0+s14+$0xFFFFFFD0 ss:$0x1], $0xffff;
	[tilespmem:s15+$0xFFFFFFF0] =	vst v3  }
.Ltmp3:
0x2c: {  	v4 =	vld.idx.msk [tilespmem:v0+s14+$0xFFFFFFE0 ss:$0x1], $0xffff;
	[tilespmem:s15+$0x0] =	vst v1;
	(pc) =	sbr.rel @p1 .LBB1_4-.Ltmp3, $4  }
0x2d: {  	v3 =	vld.idx.msk [tilespmem:v0+s14+$0xFFFFFFF0 ss:$0x1], $0xffff;
	[tilespmem:s15+$0x10] =	vst v2  }
0x2e: {  	v1 =	vld.idx.msk [tilespmem:v0+s14+$0x0 ss:$0x1], $0xffff;
	[tilespmem:s15+$0x20] =	vst v6;
	s15 =	sadd.s32 $0x800, s15  }
0x2f: {  	v2 =	vld.idx.msk [tilespmem:v0+s14+$0x10 ss:$0x1], $0xffff;
	[tilespmem:s15+$0x30] =	vst v7  }
0x30: {  	[tilespmem:s15+$0xFFFFFFC0] =	vst v8;
	v6 =	vld.idx.msk [tilespmem:v0+s14+$0x20 ss:$0x1], $0xffff;
	s14 =	sshra.s32 s16, $0x2;
	s16 =	sadd.s32 $0x200, s16  }
0x31: {  	_ =	sdelay $0x2  }
0x32: {  	[tilespmem:s15+$0xFFFFFFD0] =	vst v5  }
0x33: {  	v56 =	vld.idx.msk [tilespmem:v0+s14+$0x30 ss:$0x1], $0xffff;
	[tilespmem:s15+$0xFFFFFFE0] =	vst v4  }
0x34: {  	v57 =	vld.idx.msk [tilespmem:v0+s14+$0xFFFFFFC0 ss:$0x1], $0xffff;
	[tilespmem:s15+$0xFFFFFFF0] =	vst v3  }
0x35: {  	v58 =	vld.idx.msk [tilespmem:v0+s14+$0xFFFFFFD0 ss:$0x1], $0xffff;
	[tilespmem:s15+$0x0] =	vst v1  }
0x36: {  	v59 =	vld.idx.msk [tilespmem:v0+s14+$0xFFFFFFE0 ss:$0x1], $0xffff;
	[tilespmem:s15+$0x10] =	vst v2  }
0x37: {  	v60 =	vld.idx.msk [tilespmem:v0+s14+$0xFFFFFFF0 ss:$0x1], $0xffff;
	s31 =	sadd.s32 $0x800, s15;
	[tilespmem:s15+$0x20] =	vst v6  }
0x38: {  	v61 =	vld.idx.msk [tilespmem:v0+s14+$0x0 ss:$0x1], $0xffff;
	[tilespmem:s31+$0x30] =	vst v56  }
0x39: {  	v62 =	vld.idx.msk [tilespmem:v0+s14+$0x10 ss:$0x1], $0xffff;
	s13 =	sadd.s32 $0x1, s13;
	[tilespmem:s31+$0xFFFFFFC0] =	vst v57  }
0x3a: {  	v63 =	vld.idx.msk [tilespmem:v0+s14+$0x20 ss:$0x1], $0xffff;
	p1 =	sne.s32 s13, $0x10;
	[tilespmem:s31+$0xFFFFFFD0] =	vst v58  }
.Ltmp4:
0x3b: {  	[tilespmem:s31+$0xFFFFFFE0] =	vst v59;
	(pc) =	sbr.rel @p1 .LBB1_3-.Ltmp4, $4  }
0x3c: {  	[tilespmem:s31+$0xFFFFFFF0] =	vst v60  }
0x3d: {  	[tilespmem:s31+$0x0] =	vst v61  }
0x3e: {  	[tilespmem:s31+$0x10] =	vst v62  }
0x3f: {  	s10 =	sadd.s32 $0x80, s10;
	s11 =	sadd.s32 $0x400, s11;
	[tilespmem:s31+$0x20] =	vst v63  }
.Ltmp5:
0x40: {  	(pc) =	sbr.rel .LBB1_7-.Ltmp5, $4  }
0x41: {  	_ = 	snop  }
0x42: {  	s9 =	sshll.u32 s9, $0xB  }
0x43: {  	s9 =	sadd.s32 s3, s9  }
0x44: {  	[hbm4b:s9+s6] =	stream.linear.scatter [tilespmem:s12], [sflag:$0x2], $0x4000, $0x38;
	[tilespmem:$0x10000] =	vst v63  }
.LBB1_8:
0x45: {  	_ =	sfence.sel $0x180000  }
0x46: {  	s2 =	simm.s32 $0x1;
	[bflag:$0x0] =	sbarrier.arrive $0xFFFF  }
0x47: {  	s31 =	simm.s32 $0x2;
	[sflag:s2] =	ssyncpa.u1 $0x1  }
0x48: {  	[sflag:s31] =	ssyncpa.u1 $0x1  }
0x49: {  	p0 =	sne.s32 s1, $0x0;
	_ =	strace $0x90000047  }
0x4a: {  	s0 =	sadd.s32 @!p0 $0x100000, s0;
	[bflag:$0x2] =	sbarrier.arrive $0xFFFF  }
0x4b: {  	[sflag:s0] =	ssyncadd.tile.s32 @!p0 $0x1;
	_ =	shalt  }
.Lfunc_end1:
_tile_overlayer_lowered:
.L_overlay_start_2:
0x4c: {  	(tag) =	ssettag $0x2  }
0x4d: {  	s0 =	rddreg [dreg:$0x0];
	s2 =	stileid.u32  }
0x4e: {  	s1 =	rddreg [dreg:$0x1];
	p0 =	sne.s32 s2, $0x0  }
0x4f: {  	s3 =	rddreg [dreg:$0x2];
	[bflag:$0x3] =	sbarrier.arrive $0xFFFF;
	s2 =	simm.s32 @!p0 $0x1C01  }
0x50: {  	[timem:s3], [sflag:s2] =	dma.local @!p0 [hbm:s0], s1  }
0x51: {  	s0 =	simm.s32 @!p0 $0x1  }
0x52: {  	_ =	swait.ge @!p0 [sflag:s0], s1  }
0x53: {  	s1 =	ssub.s32 @!p0 $0x0, s1;
	[sflag:s0] =	ssyncset.done @!p0 $0x0  }
0x54: {  	[sflag:s0] =	ssyncadd.s32 @!p0 s1  }
0x55: {  	[bflag:$0x3] =	sbarrier.arrive $0xFFFF  }
0x56: {  	_ =	shalt  }

</sc_bundles>
